<compile_context>
chip_gen: v7x
topology: tpu7x:2x2x1
jax: 0.10.2.dev20260603
libtpu: 0.0.44.dev20260713+nightly
codegen_flags: <defaults>
</compile_context>

<pallas_src>
import functools

import jax
import jax.numpy as jnp
from jax import lax
from jax.experimental import pallas as pl
from jax.experimental.pallas import tpu as pltpu
from jax.experimental.pallas import tpu_sc as plsc

_E = 64
_Q = 1.2
_EPS = 1e-5
_ENT_TH = 2.5
_TOP_P = 0.75

_N = 65536
_NC, _NS, _L = 2, 16, 16
_NW = _NC * _NS
_W_SC = 8192
_TPW = _W_SC // _NW
_CH = 256
_NCH = _TPW // _CH
_NG = _CH // _L
_PR = 2 * _E + 4
_TB = 2048


def _sc_body(x_hbm, w_hbm, out_hbm, xb, wb, pbuf, acc):
    wid = lax.axis_index("s") * _NC + lax.axis_index("c")
    zeros = jnp.zeros((_L,), jnp.float32)

    def _zinit(j, carry):
        acc[j, :] = zeros
        return carry

    lax.fori_loop(0, _PR, _zinit, 0)

    def _chunk_body(std0):

        def _group(g, std):
            S, T, D = std
            sl = pl.ds(g * _L, _L)
            ninf = jnp.full((_L,), -1e30, jnp.float32)

            def _p1(blk, carry):
                m, m2x = carry
                for k in range(8):
                    x = xb[blk * 8 + k, sl]
                    m2x = jnp.maximum(m2x, jnp.minimum(m, x))
                    m = jnp.maximum(m, x)
                return m, m2x

            m, m2x = lax.fori_loop(0, 8, _p1, (ninf, ninf))

            def _p2(blk, z):
                for k in range(8):
                    j = blk * 8 + k
                    e = jnp.exp(xb[j, sl] - m)
                    pbuf[j, sl] = e
                    z = z + e
                return z

            z = lax.fori_loop(0, 8, _p2, zeros)
            rz = 1.0 / z

            y0 = jnp.where(z >= 20.0855, 3.5,
                           jnp.where(z >= 7.3891, 2.5,
                                     jnp.where(z >= 2.7183, 1.5, 0.5)))

            def _newton(_, y):
                return y - 1.0 + z * jnp.exp(-y)

            lnz = lax.fori_loop(0, 5, _newton, y0)
            k12 = _Q * (m + lnz)
            e2 = jnp.exp(m2x - m)

            def _p4(blk, carry):
                S, pqs = carry
                for k in range(8):
                    j = blk * 8 + k
                    ev = pbuf[j, sl]
                    S = S + jnp.maximum(ev * rz, _EPS)
                    pqs = pqs + jnp.maximum(jnp.exp(_Q * xb[j, sl] - k12),
                                            1e-6)
                return S, pqs

            S, pqs = lax.fori_loop(0, 8, _p4, (S, zeros))
            T = T + pqs
            high = ((1.0 - pqs) / (_Q - 1.0)) >= _ENT_TH

            thr = _TOP_P * z

            def _bis(_, lh):
                lo, hi = lh
                u = 0.5 * (lo + hi)

                def _gsum(blk, gs):
                    for k in range(8):
                        ev = pbuf[blk * 8 + k, sl]
                        gs = gs + jnp.where(ev >= u, ev, 0.0)
                    return gs

                gs = lax.fori_loop(0, 8, _gsum, zeros)
                ok = gs <= thr
                return jnp.where(ok, lo, u), jnp.where(ok, u, hi)

            _, hi = lax.fori_loop(
                0, 16, _bis, (zeros, jnp.full((_L,), 2.0, jnp.float32)))

            wv = wb[sl]
            rzw = rz * wv

            def _p6(blk, carry):
                for k in range(8):
                    j = blk * 8 + k
                    ev = pbuf[j, sl]
                    keep = high | (ev >= e2) | (ev >= hi)
                    rwv = jnp.where(keep, ev, 0.0)
                    plsc.addupdate(acc.at[j, :], rwv * rzw)
                    plsc.addupdate(acc.at[_E + j, :], ev * rzw)
                return carry

            lax.fori_loop(0, 8, _p6, 0)
            return (S, T, D + wv)

        return lax.fori_loop(0, _NG, _group, std0)

    std = (zeros, zeros, zeros)
    for c in range(_NCH):
        pltpu.sync_copy(x_hbm.at[wid, c], xb)
        pltpu.sync_copy(w_hbm.at[wid, c], wb)
        std = _chunk_body(std)
    S, T, D = std

    acc[2 * _E, :] = S
    acc[2 * _E + 1, :] = T
    acc[2 * _E + 2, :] = D
    acc[2 * _E + 3, :] = zeros
    pltpu.sync_copy(acc, out_hbm.at[wid])


def _tc_body(nb, x_ref, w_ref, out_ref, accA, accB, accSTD):
    b = pl.program_id(0)

    @pl.when(b == 0)
    def _init():
        accA[...] = jnp.zeros_like(accA)
        accB[...] = jnp.zeros_like(accB)
        accSTD[...] = jnp.zeros_like(accSTD)

    x = x_ref[...]
    w = w_ref[...]
    mx = jnp.max(x, axis=0, keepdims=True)
    e = jnp.exp(x - mx)
    z = jnp.sum(e, axis=0, keepdims=True)
    p = e / z

    pc = jnp.maximum(p, _EPS)
    pq = jnp.maximum(jnp.exp(_Q * (x - mx - jnp.log(z))), 1e-6)
    sum_pq_tok = jnp.sum(pq, axis=0, keepdims=True)
    ent = (1.0 - sum_pq_tok) / (_Q - 1.0)
    high = ent >= _ENT_TH

    m1 = jnp.max(p, axis=0, keepdims=True)
    m2 = jnp.max(jnp.where(p < m1, p, -1.0), axis=0, keepdims=True)

    lo = jnp.zeros_like(m1)
    hi = jnp.full_like(m1, 2.0)
    for _ in range(10):
        u = 0.5 * (lo + hi)
        gs = jnp.sum(jnp.where(p >= u, p, 0.0), axis=0, keepdims=True)
        ok = gs <= _TOP_P
        lo = jnp.where(ok, lo, u)
        hi = jnp.where(ok, u, hi)

    keep = high | (p >= m2) | (p >= hi)
    rw = jnp.where(keep, p, 0.0)

    accA[...] += jnp.sum(rw * w, axis=1, keepdims=True)
    accB[...] += jnp.sum(p * w, axis=1, keepdims=True)
    accSTD[0:1, :] += jnp.sum(pc)
    accSTD[1:2, :] += jnp.sum(pq)
    accSTD[2:3, :] += jnp.sum(w)

    @pl.when(b == nb - 1)
    def _fin():
        out_ref[0:_E, :] = accA[...]
        out_ref[_E:2 * _E, :] = accB[...]
        out_ref[2 * _E:2 * _E + 3, :] = accSTD[...]
        out_ref[2 * _E + 3:, :] = jnp.zeros_like(out_ref[2 * _E + 3:, :])


def _combine_body(p_sc_ref, p_tc_ref, out_ref):
    pm = jnp.sum(p_sc_ref[...], axis=0)
    q = p_tc_ref[...]
    a = jnp.sum(pm[0:_E, :], axis=1, keepdims=True) + q[0:_E, :]
    b = (jnp.sum(pm[_E:2 * _E, :], axis=1, keepdims=True)
         + q[_E:2 * _E, :])
    s = (jnp.sum(pm[2 * _E:2 * _E + 1, :], axis=1, keepdims=True)
         + q[2 * _E:2 * _E + 1, :])
    t = (jnp.sum(pm[2 * _E + 1:2 * _E + 2, :], axis=1, keepdims=True)
         + q[2 * _E + 1:2 * _E + 2, :])
    d = (jnp.sum(pm[2 * _E + 2:2 * _E + 3, :], axis=1, keepdims=True)
         + q[2 * _E + 2:2 * _E + 3, :])
    ent = (1.0 - t / (s ** _Q)) / (_Q - 1.0)
    lb = _E * jnp.sum(a * b, axis=0, keepdims=True) / (d * d)
    out_ref[...] = 0.001 * ent + 0.001 * lb


def kernel(gate_logits, attention_mask):
    n, e = gate_logits.shape
    bsz, seq = attention_mask.shape
    layers = n // (bsz * seq)

    wrow = jnp.broadcast_to(
        attention_mask.reshape(-1)[None, :], (layers, bsz * seq)
    ).reshape(1, n).astype(jnp.float32)

    x_r = gate_logits[:_W_SC].reshape(_NW, _NCH, _CH, e).transpose(0, 1, 3, 2)
    w_r = wrow[0, :_W_SC].reshape(_NW, _NCH, _CH)

    mesh = plsc.VectorSubcoreMesh(
        core_axis_name="c", subcore_axis_name="s",
        num_cores=_NC, num_subcores=_NS)
    partials_sc = pl.kernel(
        _sc_body,
        out_type=jax.ShapeDtypeStruct((_NW, _PR, _L), jnp.float32),
        mesh=mesh,
        scratch_types=[
            pltpu.VMEM((_E, _CH), jnp.float32),
            pltpu.VMEM((_CH,), jnp.float32),
            pltpu.VMEM((_E, _CH), jnp.float32),
            pltpu.VMEM((_PR, _L), jnp.float32),
        ],
    )(x_r, w_r)

    xt = gate_logits.T
    nb = (n - _W_SC) // _TB
    off = _W_SC // _TB
    part_tc = pl.pallas_call(
        functools.partial(_tc_body, nb),
        grid=(nb,),
        in_specs=[
            pl.BlockSpec((e, _TB), lambda i: (0, i + off)),
            pl.BlockSpec((1, _TB), lambda i: (0, i + off)),
        ],
        out_specs=pl.BlockSpec((_PR, 1), lambda i: (0, 0)),
        out_shape=jax.ShapeDtypeStruct((_PR, 1), jnp.float32),
        scratch_shapes=[
            pltpu.VMEM((_E, 1), jnp.float32),
            pltpu.VMEM((_E, 1), jnp.float32),
            pltpu.VMEM((3, 1), jnp.float32),
        ],
        compiler_params=pltpu.CompilerParams(
            dimension_semantics=("arbitrary",),
        ),
    )(xt, wrow)

    loss = pl.pallas_call(
        _combine_body,
        out_shape=jax.ShapeDtypeStruct((1, 1), jnp.float32),
    )(partials_sc, part_tc)
    return loss.reshape(())

# --- scband reference (transcript-rebuilt; emitter-appended) ---
"""Pipeline reference for scband-dyn-mole-router-loss-15350213116553 (READ-ONLY COPY).

The authoritative reference and input builder live on the scoring server;
editing this copy changes nothing except your own understanding.
"""

import jax, jax.numpy as jnp
import numpy as np

ENTROPY_THRESHHOLD = 2.5
ENTROPY_INDEX = 1.2
ENTROPY_EPS = 1e-05
KEEP_TOP_K = 2
TOP_P = 0.75
DYN_LOSS_COEF = 0.001
AUX_LOSS_COEF = 0.001


def _tsallis_entropy(p, q, eps):
    # per-token Tsallis entropy along the expert axis
    p = jnp.clip(p, eps)
    return (1.0 - jnp.sum(p ** q, axis=-1)) / (q - 1.0)


def _tsallis_entropy_loss(p, q, eps):
    # soft_clip(p, min_val=eps) then global normalization, scalar Tsallis entropy
    p = jnp.clip(p, eps)
    p = p / jnp.sum(p)
    if q == 1.0:
        return -jnp.sum(p * jnp.log(p))
    return (1.0 - jnp.sum(p ** q)) / (q - 1.0)


def _dynamic_routing(probs):
    # sort descending
    order = jnp.argsort(-probs, axis=-1)
    sorted_logits = jnp.take_along_axis(probs, order, axis=-1)
    cumulative_probs = jnp.cumsum(sorted_logits, axis=-1)
    expert_mask = cumulative_probs > TOP_P
    expert_mask = expert_mask.at[..., :KEEP_TOP_K].set(False)
    # scatter expert_mask back to original expert positions (order is a permutation per row)
    inv = jnp.argsort(order, axis=-1)
    final_mask = jnp.take_along_axis(expert_mask, inv, axis=-1)
    router_entropy = _tsallis_entropy(probs, ENTROPY_INDEX, ENTROPY_EPS)
    final_mask = jnp.where((router_entropy >= ENTROPY_THRESHHOLD)[..., None], False, final_mask)
    return probs * (~final_mask).astype(probs.dtype)


def setup_inputs(seed: int = 0) -> dict:
    key = jax.random.key(seed)
    k1, k2 = jax.random.split(key)
    gate_logits = jax.random.normal(k1, (65536, 64), dtype=jnp.float32)
    attention_mask = jnp.ones((4, 2048), dtype=jnp.float32)
    return {"gate_logits": gate_logits, "attention_mask": attention_mask}


def reference(gate_logits, attention_mask):
    orig_routing_weights = jax.nn.softmax(gate_logits, axis=-1)
    entropy_loss = _tsallis_entropy_loss(orig_routing_weights, ENTROPY_INDEX, ENTROPY_EPS)
    routing_weights = _dynamic_routing(orig_routing_weights)
    num_experts = routing_weights.shape[-1]
    batch_size, sequence_length = attention_mask.shape
    num_hidden_layers = routing_weights.shape[0] // (batch_size * sequence_length)
    per_expert_attention_mask = jnp.broadcast_to(
        attention_mask[None, :, :, None],
        (num_hidden_layers, batch_size, sequence_length, num_experts),
    ).reshape(-1, num_experts)
    tokens_per_expert = jnp.sum(routing_weights * per_expert_attention_mask, axis=0) / jnp.sum(per_expert_attention_mask, axis=0)
    router_prob_per_expert = jnp.sum(orig_routing_weights * per_expert_attention_mask, axis=0) / jnp.sum(per_expert_attention_mask, axis=0)
    load_balance_loss = num_experts * jnp.sum(tokens_per_expert * router_prob_per_expert)
    return DYN_LOSS_COEF * entropy_loss + AUX_LOSS_COEF * load_balance_loss

if __name__ == "__main__":
    import jax
    _d = setup_inputs()
    print(jax.jit(kernel)(*tuple(_d.values())))

</pallas_src>

<mosaic_0001>
#map = affine_map<(d0, d1) -> (0, 0, 0, 0)>
#map1 = affine_map<(d0, d1) -> (0, 0, 0)>
module attributes {stable_mosaic.version = 14 : i64} {
  func.func @_sc_body(%arg0: i32, %arg1: i32, %arg2: memref<32x1x64x256xf32, #tpu.memory_space<hbm>>, %arg3: memref<32x1x256xf32, #tpu.memory_space<hbm>>, %arg4: memref<32x132x16xf32, #tpu.memory_space<hbm>>, %arg5: memref<64x256xf32, #tpu.memory_space<vmem>>, %arg6: memref<256xf32, #tpu.memory_space<vmem>>, %arg7: memref<64x256xf32, #tpu.memory_space<vmem>>, %arg8: memref<132x16xf32, #tpu.memory_space<vmem>>) attributes {dimension_semantics = [#tpu.dimension_semantics<core_parallel>, #tpu.dimension_semantics<subcore_parallel>], iteration_bounds = array<i64: 2, 16>, scalar_prefetch = 0 : i64, scratch_operands = 4 : i64, tpu.core_type = #tpu.core_type<sc_vector_subcore>, window_params = [{transform_indices = #map}, {transform_indices = #map1}, {transform_indices = #map1}]} {
    %mul3A = arith.constant 2 : i32
    %mul3A_0 = arith.muli %arg1, %mul3A : i32
    %add3A = arith.addi %mul3A_0, %arg0 : i32
    %broadcast_in_dim3A = arith.constant 0.000000e+00 : f32
    %broadcast_in_dim3A_1 = vector.broadcast %broadcast_in_dim3A : f32 to vector<16xf32>
    %scan3A = arith.constant 0 : i32
    %scan3A_2 = arith.constant 0 : i32
    %scan3A_3 = arith.constant 132 : i32
    %scan3A_4 = arith.addi %scan3A_2, %scan3A_3 : i32
    %scan3A_5 = arith.constant 1 : i32
    scf.for %scan3A_37 = %scan3A_2 to %scan3A_4 step %scan3A_5  : i32 {
      %swap3A_38 = arith.index_cast %scan3A_37 : i32 to index
      %swap3A_39 = arith.constant 0 : index
      %swap3A_40 = tpu.vector_load %arg8[%swap3A_38, %swap3A_39] {strides = array<i32>} : memref<132x16xf32, #tpu.memory_space<vmem>>, vector<1x16xf32>,
      %swap3A_41 = vector.shape_cast %swap3A_40 : vector<1x16xf32> to vector<16xf32>
      %swap3A_42 = vector.shape_cast %broadcast_in_dim3A_1 : vector<16xf32> to vector<1x16xf32>
      tpu.vector_store %arg8[%swap3A_38, %swap3A_39], %swap3A_42 {strides = array<i32>} : memref<132x16xf32, #tpu.memory_space<vmem>>, vector<1x16xf32>,
    }
    %scan3A_6 = arith.constant 132 : i32
    %run_scoped3A = arith.constant 0 : i32
    "tpu.region"() ({
      %run_scoped3A_37 = tpu.sem_alloc : memref<!tpu.dma_semaphore, #tpu.memory_space<semaphore_mem>>
      %dma_start3A = arith.constant 0 : i32
      %dma_start3A_38 = arith.constant 0 : i32
      %dma_start3A_39 = tpu.memref_slice %arg2[%add3A, %run_scoped3A, %dma_start3A, %dma_start3A_38] : memref<32x1x64x256xf32, #tpu.memory_space<hbm>> -> memref<1x1x64x256xf32, #tpu.memory_space<hbm>>
      %dma_start3A_40 = tpu.memref_squeeze %dma_start3A_39 : memref<1x1x64x256xf32, #tpu.memory_space<hbm>> -> memref<64x256xf32, #tpu.memory_space<hbm>>
      %dma_start3A_41 = arith.constant 0 : i32
      %dma_start3A_42 = arith.constant 0 : i32
      %dma_start3A_43 = tpu.memref_slice %arg2[%add3A, %run_scoped3A, %dma_start3A_41, %dma_start3A_42] : memref<32x1x64x256xf32, #tpu.memory_space<hbm>> -> memref<1x1x64x256xf32, #tpu.memory_space<hbm>>
      %dma_start3A_44 = tpu.memref_squeeze %dma_start3A_43 : memref<1x1x64x256xf32, #tpu.memory_space<hbm>> -> memref<64x256xf32, #tpu.memory_space<hbm>>
      tpu.enqueue_dma source(%dma_start3A_44 : memref<64x256xf32, #tpu.memory_space<hbm>>) target(%arg5 : memref<64x256xf32, #tpu.memory_space<vmem>>) target_semaphore(%run_scoped3A_37 : memref<!tpu.dma_semaphore, #tpu.memory_space<semaphore_mem>>)
      %dma_wait3A = arith.constant 0 : i32
      %dma_wait3A_45 = arith.constant 0 : i32
      %dma_wait3A_46 = tpu.memref_slice %arg2[%add3A, %run_scoped3A, %dma_wait3A, %dma_wait3A_45] : memref<32x1x64x256xf32, #tpu.memory_space<hbm>> -> memref<1x1x64x256xf32, #tpu.memory_space<hbm>>
      %dma_wait3A_47 = tpu.memref_squeeze %dma_wait3A_46 : memref<1x1x64x256xf32, #tpu.memory_space<hbm>> -> memref<64x256xf32, #tpu.memory_space<hbm>>
      %dma_wait3A_48 = arith.constant 0 : i32
      %dma_wait3A_49 = arith.constant 0 : i32
      %dma_wait3A_50 = tpu.memref_slice %arg2[%add3A, %run_scoped3A, %dma_wait3A_48, %dma_wait3A_49] : memref<32x1x64x256xf32, #tpu.memory_space<hbm>> -> memref<1x1x64x256xf32, #tpu.memory_space<hbm>>
      %dma_wait3A_51 = tpu.memref_squeeze %dma_wait3A_50 : memref<1x1x64x256xf32, #tpu.memory_space<hbm>> -> memref<64x256xf32, #tpu.memory_space<hbm>>
      tpu.wait_dma2 semaphore(%run_scoped3A_37 : memref<!tpu.dma_semaphore, #tpu.memory_space<semaphore_mem>>) src(%dma_wait3A_51 : memref<64x256xf32, #tpu.memory_space<hbm>>) dst(%arg5 : memref<64x256xf32, #tpu.memory_space<vmem>>)
      tpu.yield
    }) : () -> ()
    %run_scoped3A_7 = arith.constant 0 : i32
    "tpu.region"() ({
      %run_scoped3A_37 = tpu.sem_alloc : memref<!tpu.dma_semaphore, #tpu.memory_space<semaphore_mem>>
      %dma_start3A = arith.constant 0 : i32
      %dma_start3A_38 = tpu.memref_slice %arg3[%add3A, %run_scoped3A_7, %dma_start3A] : memref<32x1x256xf32, #tpu.memory_space<hbm>> -> memref<1x1x256xf32, #tpu.memory_space<hbm>>
      %dma_start3A_39 = tpu.memref_squeeze %dma_start3A_38 : memref<1x1x256xf32, #tpu.memory_space<hbm>> -> memref<256xf32, #tpu.memory_space<hbm>>
      %dma_start3A_40 = arith.constant 0 : i32
      %dma_start3A_41 = tpu.memref_slice %arg3[%add3A, %run_scoped3A_7, %dma_start3A_40] : memref<32x1x256xf32, #tpu.memory_space<hbm>> -> memref<1x1x256xf32, #tpu.memory_space<hbm>>
      %dma_start3A_42 = tpu.memref_squeeze %dma_start3A_41 : memref<1x1x256xf32, #tpu.memory_space<hbm>> -> memref<256xf32, #tpu.memory_space<hbm>>
      tpu.enqueue_dma source(%dma_start3A_42 : memref<256xf32, #tpu.memory_space<hbm>>) target(%arg6 : memref<256xf32, #tpu.memory_space<vmem>>) target_semaphore(%run_scoped3A_37 : memref<!tpu.dma_semaphore, #tpu.memory_space<semaphore_mem>>)
      %dma_wait3A = arith.constant 0 : i32
      %dma_wait3A_43 = tpu.memref_slice %arg3[%add3A, %run_scoped3A_7, %dma_wait3A] : memref<32x1x256xf32, #tpu.memory_space<hbm>> -> memref<1x1x256xf32, #tpu.memory_space<hbm>>
      %dma_wait3A_44 = tpu.memref_squeeze %dma_wait3A_43 : memref<1x1x256xf32, #tpu.memory_space<hbm>> -> memref<256xf32, #tpu.memory_space<hbm>>
      %dma_wait3A_45 = arith.constant 0 : i32
      %dma_wait3A_46 = tpu.memref_slice %arg3[%add3A, %run_scoped3A_7, %dma_wait3A_45] : memref<32x1x256xf32, #tpu.memory_space<hbm>> -> memref<1x1x256xf32, #tpu.memory_space<hbm>>
      %dma_wait3A_47 = tpu.memref_squeeze %dma_wait3A_46 : memref<1x1x256xf32, #tpu.memory_space<hbm>> -> memref<256xf32, #tpu.memory_space<hbm>>
      tpu.wait_dma2 semaphore(%run_scoped3A_37 : memref<!tpu.dma_semaphore, #tpu.memory_space<semaphore_mem>>) src(%dma_wait3A_47 : memref<256xf32, #tpu.memory_space<hbm>>) dst(%arg6 : memref<256xf32, #tpu.memory_space<vmem>>)
      tpu.yield
    }) : () -> ()
    %scan3A_8 = arith.constant 0 : i32
    %scan3A_9 = arith.constant 16 : i32
    %scan3A_10 = arith.addi %scan3A_8, %scan3A_9 : i32
    %scan3A_11 = arith.constant 1 : i32
    %scan3A_12:3 = scf.for %scan3A_37 = %scan3A_8 to %scan3A_10 step %scan3A_11 iter_args(%scan3A_38 = %broadcast_in_dim3A_1, %scan3A_39 = %broadcast_in_dim3A_1, %scan3A_40 = %broadcast_in_dim3A_1) -> (vector<16xf32>, vector<16xf32>, vector<16xf32>)  : i32 {
      %mul3A_41 = arith.constant 16 : i32
      %mul3A_42 = arith.muli %scan3A_37, %mul3A_41 : i32
      %broadcast_in_dim3A_43 = arith.constant -1.000000e+30 : f32
      %broadcast_in_dim3A_44 = vector.broadcast %broadcast_in_dim3A_43 : f32 to vector<16xf32>
      %scan3A_45 = arith.constant 0 : i32
      %scan3A_46 = arith.constant 8 : i32
      %scan3A_47 = arith.addi %scan3A_45, %scan3A_46 : i32
      %scan3A_48 = arith.constant 1 : i32
      %scan3A_49:2 = scf.for %scan3A_123 = %scan3A_45 to %scan3A_47 step %scan3A_48 iter_args(%scan3A_124 = %broadcast_in_dim3A_44, %scan3A_125 = %broadcast_in_dim3A_44) -> (vector<16xf32>, vector<16xf32>)  : i32 {
        %mul3A_126 = arith.constant 8 : i32
        %mul3A_127 = arith.muli %scan3A_123, %mul3A_126 : i32
        %add3A_128 = arith.constant 0 : i32
        %add3A_129 = arith.addi %mul3A_127, %add3A_128 : i32
        %get3A_130 = arith.index_cast %add3A_129 : i32 to index
        %get3A_131 = arith.index_cast %mul3A_42 : i32 to index
        %get3A_132 = tpu.vector_load %arg5[%get3A_130, %get3A_131] {strides = array<i32>} : memref<64x256xf32, #tpu.memory_space<vmem>>, vector<1x16xf32>,
        %get3A_133 = vector.shape_cast %get3A_132 : vector<1x16xf32> to vector<16xf32>
        %min3A = arith.minimumf %scan3A_124, %get3A_133 : vector<16xf32>
        %max3A = arith.maximumf %scan3A_125, %min3A : vector<16xf32>
        %max3A_134 = arith.maximumf %scan3A_124, %get3A_133 : vector<16xf32>
        %mul3A_135 = arith.constant 8 : i32
        %mul3A_136 = arith.muli %scan3A_123, %mul3A_135 : i32
        %add3A_137 = arith.constant 1 : i32
        %add3A_138 = arith.addi %mul3A_136, %add3A_137 : i32
        %get3A_139 = arith.index_cast %add3A_138 : i32 to index
        %get3A_140 = arith.index_cast %mul3A_42 : i32 to index
        %get3A_141 = tpu.vector_load %arg5[%get3A_139, %get3A_140] {strides = array<i32>} : memref<64x256xf32, #tpu.memory_space<vmem>>, vector<1x16xf32>,
        %get3A_142 = vector.shape_cast %get3A_141 : vector<1x16xf32> to vector<16xf32>
        %min3A_143 = arith.minimumf %max3A_134, %get3A_142 : vector<16xf32>
        %max3A_144 = arith.maximumf %max3A, %min3A_143 : vector<16xf32>
        %max3A_145 = arith.maximumf %max3A_134, %get3A_142 : vector<16xf32>
        %mul3A_146 = arith.constant 8 : i32
        %mul3A_147 = arith.muli %scan3A_123, %mul3A_146 : i32
        %add3A_148 = arith.constant 2 : i32
        %add3A_149 = arith.addi %mul3A_147, %add3A_148 : i32
        %get3A_150 = arith.index_cast %add3A_149 : i32 to index
        %get3A_151 = arith.index_cast %mul3A_42 : i32 to index
        %get3A_152 = tpu.vector_load %arg5[%get3A_150, %get3A_151] {strides = array<i32>} : memref<64x256xf32, #tpu.memory_space<vmem>>, vector<1x16xf32>,
        %get3A_153 = vector.shape_cast %get3A_152 : vector<1x16xf32> to vector<16xf32>
        %min3A_154 = arith.minimumf %max3A_145, %get3A_153 : vector<16xf32>
        %max3A_155 = arith.maximumf %max3A_144, %min3A_154 : vector<16xf32>
        %max3A_156 = arith.maximumf %max3A_145, %get3A_153 : vector<16xf32>
        %mul3A_157 = arith.constant 8 : i32
        %mul3A_158 = arith.muli %scan3A_123, %mul3A_157 : i32
        %add3A_159 = arith.constant 3 : i32
        %add3A_160 = arith.addi %mul3A_158, %add3A_159 : i32
        %get3A_161 = arith.index_cast %add3A_160 : i32 to index
        %get3A_162 = arith.index_cast %mul3A_42 : i32 to index
        %get3A_163 = tpu.vector_load %arg5[%get3A_161, %get3A_162] {strides = array<i32>} : memref<64x256xf32, #tpu.memory_space<vmem>>, vector<1x16xf32>,
        %get3A_164 = vector.shape_cast %get3A_163 : vector<1x16xf32> to vector<16xf32>
        %min3A_165 = arith.minimumf %max3A_156, %get3A_164 : vector<16xf32>
        %max3A_166 = arith.maximumf %max3A_155, %min3A_165 : vector<16xf32>
        %max3A_167 = arith.maximumf %max3A_156, %get3A_164 : vector<16xf32>
        %mul3A_168 = arith.constant 8 : i32
        %mul3A_169 = arith.muli %scan3A_123, %mul3A_168 : i32
        %add3A_170 = arith.constant 4 : i32
        %add3A_171 = arith.addi %mul3A_169, %add3A_170 : i32
        %get3A_172 = arith.index_cast %add3A_171 : i32 to index
        %get3A_173 = arith.index_cast %mul3A_42 : i32 to index
        %get3A_174 = tpu.vector_load %arg5[%get3A_172, %get3A_173] {strides = array<i32>} : memref<64x256xf32, #tpu.memory_space<vmem>>, vector<1x16xf32>,
        %get3A_175 = vector.shape_cast %get3A_174 : vector<1x16xf32> to vector<16xf32>
        %min3A_176 = arith.minimumf %max3A_167, %get3A_175 : vector<16xf32>
        %max3A_177 = arith.maximumf %max3A_166, %min3A_176 : vector<16xf32>
        %max3A_178 = arith.maximumf %max3A_167, %get3A_175 : vector<16xf32>
        %mul3A_179 = arith.constant 8 : i32
        %mul3A_180 = arith.muli %scan3A_123, %mul3A_179 : i32
        %add3A_181 = arith.constant 5 : i32
        %add3A_182 = arith.addi %mul3A_180, %add3A_181 : i32
        %get3A_183 = arith.index_cast %add3A_182 : i32 to index
        %get3A_184 = arith.index_cast %mul3A_42 : i32 to index
        %get3A_185 = tpu.vector_load %arg5[%get3A_183, %get3A_184] {strides = array<i32>} : memref<64x256xf32, #tpu.memory_space<vmem>>, vector<1x16xf32>,
        %get3A_186 = vector.shape_cast %get3A_185 : vector<1x16xf32> to vector<16xf32>
        %min3A_187 = arith.minimumf %max3A_178, %get3A_186 : vector<16xf32>
        %max3A_188 = arith.maximumf %max3A_177, %min3A_187 : vector<16xf32>
        %max3A_189 = arith.maximumf %max3A_178, %get3A_186 : vector<16xf32>
        %mul3A_190 = arith.constant 8 : i32
        %mul3A_191 = arith.muli %scan3A_123, %mul3A_190 : i32
        %add3A_192 = arith.constant 6 : i32
        %add3A_193 = arith.addi %mul3A_191, %add3A_192 : i32
        %get3A_194 = arith.index_cast %add3A_193 : i32 to index
        %get3A_195 = arith.index_cast %mul3A_42 : i32 to index
        %get3A_196 = tpu.vector_load %arg5[%get3A_194, %get3A_195] {strides = array<i32>} : memref<64x256xf32, #tpu.memory_space<vmem>>, vector<1x16xf32>,
        %get3A_197 = vector.shape_cast %get3A_196 : vector<1x16xf32> to vector<16xf32>
        %min3A_198 = arith.minimumf %max3A_189, %get3A_197 : vector<16xf32>
        %max3A_199 = arith.maximumf %max3A_188, %min3A_198 : vector<16xf32>
        %max3A_200 = arith.maximumf %max3A_189, %get3A_197 : vector<16xf32>
        %mul3A_201 = arith.constant 8 : i32
        %mul3A_202 = arith.muli %scan3A_123, %mul3A_201 : i32
        %add3A_203 = arith.constant 7 : i32
        %add3A_204 = arith.addi %mul3A_202, %add3A_203 : i32
        %get3A_205 = arith.index_cast %add3A_204 : i32 to index
        %get3A_206 = arith.index_cast %mul3A_42 : i32 to index
        %get3A_207 = tpu.vector_load %arg5[%get3A_205, %get3A_206] {strides = array<i32>} : memref<64x256xf32, #tpu.memory_space<vmem>>, vector<1x16xf32>,
        %get3A_208 = vector.shape_cast %get3A_207 : vector<1x16xf32> to vector<16xf32>
        %min3A_209 = arith.minimumf %max3A_200, %get3A_208 : vector<16xf32>
        %max3A_210 = arith.maximumf %max3A_199, %min3A_209 : vector<16xf32>
        %max3A_211 = arith.maximumf %max3A_200, %get3A_208 : vector<16xf32>
        scf.yield %max3A_211, %max3A_210 : vector<16xf32>, vector<16xf32>
      }
      %scan3A_50 = arith.constant 8 : i32
      %scan3A_51 = arith.constant 0 : i32
      %scan3A_52 = arith.constant 8 : i32
      %scan3A_53 = arith.addi %scan3A_51, %scan3A_52 : i32
      %scan3A_54 = arith.constant 1 : i32
      %scan3A_55 = scf.for %scan3A_123 = %scan3A_51 to %scan3A_53 step %scan3A_54 iter_args(%scan3A_124 = %broadcast_in_dim3A_1) -> (vector<16xf32>)  : i32 {
        %mul3A_125 = arith.constant 8 : i32
        %mul3A_126 = arith.muli %scan3A_123, %mul3A_125 : i32
        %add3A_127 = arith.constant 0 : i32
        %add3A_128 = arith.addi %mul3A_126, %add3A_127 : i32
        %get3A_129 = arith.index_cast %add3A_128 : i32 to index
        %get3A_130 = arith.index_cast %mul3A_42 : i32 to index
        %get3A_131 = tpu.vector_load %arg5[%get3A_129, %get3A_130] {strides = array<i32>} : memref<64x256xf32, #tpu.memory_space<vmem>>, vector<1x16xf32>,
        %get3A_132 = vector.shape_cast %get3A_131 : vector<1x16xf32> to vector<16xf32>
        %sub3A_133 = arith.subf %get3A_132, %scan3A_49#0 : vector<16xf32>
        %exp3A_134 = math.exp %sub3A_133 : vector<16xf32>
        %swap3A_135 = arith.index_cast %add3A_128 : i32 to index
        %swap3A_136 = arith.index_cast %mul3A_42 : i32 to index
        %swap3A_137 = tpu.vector_load %arg7[%swap3A_135, %swap3A_136] {strides = array<i32>} : memref<64x256xf32, #tpu.memory_space<vmem>>, vector<1x16xf32>,
        %swap3A_138 = vector.shape_cast %swap3A_137 : vector<1x16xf32> to vector<16xf32>
        %swap3A_139 = vector.shape_cast %exp3A_134 : vector<16xf32> to vector<1x16xf32>
        tpu.vector_store %arg7[%swap3A_135, %swap3A_136], %swap3A_139 {strides = array<i32>} : memref<64x256xf32, #tpu.memory_space<vmem>>, vector<1x16xf32>,
        %add3A_140 = arith.addf %scan3A_124, %exp3A_134 : vector<16xf32>
        %mul3A_141 = arith.constant 8 : i32
        %mul3A_142 = arith.muli %scan3A_123, %mul3A_141 : i32
        %add3A_143 = arith.constant 1 : i32
        %add3A_144 = arith.addi %mul3A_142, %add3A_143 : i32
        %get3A_145 = arith.index_cast %add3A_144 : i32 to index
        %get3A_146 = arith.index_cast %mul3A_42 : i32 to index
        %get3A_147 = tpu.vector_load %arg5[%get3A_145, %get3A_146] {strides = array<i32>} : memref<64x256xf32, #tpu.memory_space<vmem>>, vector<1x16xf32>,
        %get3A_148 = vector.shape_cast %get3A_147 : vector<1x16xf32> to vector<16xf32>
        %sub3A_149 = arith.subf %get3A_148, %scan3A_49#0 : vector<16xf32>
        %exp3A_150 = math.exp %sub3A_149 : vector<16xf32>
        %swap3A_151 = arith.index_cast %add3A_144 : i32 to index
        %swap3A_152 = arith.index_cast %mul3A_42 : i32 to index
        %swap3A_153 = tpu.vector_load %arg7[%swap3A_151, %swap3A_152] {strides = array<i32>} : memref<64x256xf32, #tpu.memory_space<vmem>>, vector<1x16xf32>,
        %swap3A_154 = vector.shape_cast %swap3A_153 : vector<1x16xf32> to vector<16xf32>
        %swap3A_155 = vector.shape_cast %exp3A_150 : vector<16xf32> to vector<1x16xf32>
        tpu.vector_store %arg7[%swap3A_151, %swap3A_152], %swap3A_155 {strides = array<i32>} : memref<64x256xf32, #tpu.memory_space<vmem>>, vector<1x16xf32>,
        %add3A_156 = arith.addf %add3A_140, %exp3A_150 : vector<16xf32>
        %mul3A_157 = arith.constant 8 : i32
        %mul3A_158 = arith.muli %scan3A_123, %mul3A_157 : i32
        %add3A_159 = arith.constant 2 : i32
        %add3A_160 = arith.addi %mul3A_158, %add3A_159 : i32
        %get3A_161 = arith.index_cast %add3A_160 : i32 to index
        %get3A_162 = arith.index_cast %mul3A_42 : i32 to index
        %get3A_163 = tpu.vector_load %arg5[%get3A_161, %get3A_162] {strides = array<i32>} : memref<64x256xf32, #tpu.memory_space<vmem>>, vector<1x16xf32>,
        %get3A_164 = vector.shape_cast %get3A_163 : vector<1x16xf32> to vector<16xf32>
        %sub3A_165 = arith.subf %get3A_164, %scan3A_49#0 : vector<16xf32>
        %exp3A_166 = math.exp %sub3A_165 : vector<16xf32>
        %swap3A_167 = arith.index_cast %add3A_160 : i32 to index
        %swap3A_168 = arith.index_cast %mul3A_42 : i32 to index
        %swap3A_169 = tpu.vector_load %arg7[%swap3A_167, %swap3A_168] {strides = array<i32>} : memref<64x256xf32, #tpu.memory_space<vmem>>, vector<1x16xf32>,
        %swap3A_170 = vector.shape_cast %swap3A_169 : vector<1x16xf32> to vector<16xf32>
        %swap3A_171 = vector.shape_cast %exp3A_166 : vector<16xf32> to vector<1x16xf32>
        tpu.vector_store %arg7[%swap3A_167, %swap3A_168], %swap3A_171 {strides = array<i32>} : memref<64x256xf32, #tpu.memory_space<vmem>>, vector<1x16xf32>,
        %add3A_172 = arith.addf %add3A_156, %exp3A_166 : vector<16xf32>
        %mul3A_173 = arith.constant 8 : i32
        %mul3A_174 = arith.muli %scan3A_123, %mul3A_173 : i32
        %add3A_175 = arith.constant 3 : i32
        %add3A_176 = arith.addi %mul3A_174, %add3A_175 : i32
        %get3A_177 = arith.index_cast %add3A_176 : i32 to index
        %get3A_178 = arith.index_cast %mul3A_42 : i32 to index
        %get3A_179 = tpu.vector_load %arg5[%get3A_177, %get3A_178] {strides = array<i32>} : memref<64x256xf32, #tpu.memory_space<vmem>>, vector<1x16xf32>,
        %get3A_180 = vector.shape_cast %get3A_179 : vector<1x16xf32> to vector<16xf32>
        %sub3A_181 = arith.subf %get3A_180, %scan3A_49#0 : vector<16xf32>
        %exp3A_182 = math.exp %sub3A_181 : vector<16xf32>
        %swap3A_183 = arith.index_cast %add3A_176 : i32 to index
        %swap3A_184 = arith.index_cast %mul3A_42 : i32 to index
        %swap3A_185 = tpu.vector_load %arg7[%swap3A_183, %swap3A_184] {strides = array<i32>} : memref<64x256xf32, #tpu.memory_space<vmem>>, vector<1x16xf32>,
        %swap3A_186 = vector.shape_cast %swap3A_185 : vector<1x16xf32> to vector<16xf32>
        %swap3A_187 = vector.shape_cast %exp3A_182 : vector<16xf32> to vector<1x16xf32>
        tpu.vector_store %arg7[%swap3A_183, %swap3A_184], %swap3A_187 {strides = array<i32>} : memref<64x256xf32, #tpu.memory_space<vmem>>, vector<1x16xf32>,
        %add3A_188 = arith.addf %add3A_172, %exp3A_182 : vector<16xf32>
        %mul3A_189 = arith.constant 8 : i32
        %mul3A_190 = arith.muli %scan3A_123, %mul3A_189 : i32
        %add3A_191 = arith.constant 4 : i32
        %add3A_192 = arith.addi %mul3A_190, %add3A_191 : i32
        %get3A_193 = arith.index_cast %add3A_192 : i32 to index
        %get3A_194 = arith.index_cast %mul3A_42 : i32 to index
        %get3A_195 = tpu.vector_load %arg5[%get3A_193, %get3A_194] {strides = array<i32>} : memref<64x256xf32, #tpu.memory_space<vmem>>, vector<1x16xf32>,
        %get3A_196 = vector.shape_cast %get3A_195 : vector<1x16xf32> to vector<16xf32>
        %sub3A_197 = arith.subf %get3A_196, %scan3A_49#0 : vector<16xf32>
        %exp3A_198 = math.exp %sub3A_197 : vector<16xf32>
        %swap3A_199 = arith.index_cast %add3A_192 : i32 to index
        %swap3A_200 = arith.index_cast %mul3A_42 : i32 to index
        %swap3A_201 = tpu.vector_load %arg7[%swap3A_199, %swap3A_200] {strides = array<i32>} : memref<64x256xf32, #tpu.memory_space<vmem>>, vector<1x16xf32>,
        %swap3A_202 = vector.shape_cast %swap3A_201 : vector<1x16xf32> to vector<16xf32>
        %swap3A_203 = vector.shape_cast %exp3A_198 : vector<16xf32> to vector<1x16xf32>
        tpu.vector_store %arg7[%swap3A_199, %swap3A_200], %swap3A_203 {strides = array<i32>} : memref<64x256xf32, #tpu.memory_space<vmem>>, vector<1x16xf32>,
        %add3A_204 = arith.addf %add3A_188, %exp3A_198 : vector<16xf32>
        %mul3A_205 = arith.constant 8 : i32
        %mul3A_206 = arith.muli %scan3A_123, %mul3A_205 : i32
        %add3A_207 = arith.constant 5 : i32
        %add3A_208 = arith.addi %mul3A_206, %add3A_207 : i32
        %get3A_209 = arith.index_cast %add3A_208 : i32 to index
        %get3A_210 = arith.index_cast %mul3A_42 : i32 to index
        %get3A_211 = tpu.vector_load %arg5[%get3A_209, %get3A_210] {strides = array<i32>} : memref<64x256xf32, #tpu.memory_space<vmem>>, vector<1x16xf32>,
        %get3A_212 = vector.shape_cast %get3A_211 : vector<1x16xf32> to vector<16xf32>
        %sub3A_213 = arith.subf %get3A_212, %scan3A_49#0 : vector<16xf32>
        %exp3A_214 = math.exp %sub3A_213 : vector<16xf32>
        %swap3A_215 = arith.index_cast %add3A_208 : i32 to index
        %swap3A_216 = arith.index_cast %mul3A_42 : i32 to index
        %swap3A_217 = tpu.vector_load %arg7[%swap3A_215, %swap3A_216] {strides = array<i32>} : memref<64x256xf32, #tpu.memory_space<vmem>>, vector<1x16xf32>,
        %swap3A_218 = vector.shape_cast %swap3A_217 : vector<1x16xf32> to vector<16xf32>
        %swap3A_219 = vector.shape_cast %exp3A_214 : vector<16xf32> to vector<1x16xf32>
        tpu.vector_store %arg7[%swap3A_215, %swap3A_216], %swap3A_219 {strides = array<i32>} : memref<64x256xf32, #tpu.memory_space<vmem>>, vector<1x16xf32>,
        %add3A_220 = arith.addf %add3A_204, %exp3A_214 : vector<16xf32>
        %mul3A_221 = arith.constant 8 : i32
        %mul3A_222 = arith.muli %scan3A_123, %mul3A_221 : i32
        %add3A_223 = arith.constant 6 : i32
        %add3A_224 = arith.addi %mul3A_222, %add3A_223 : i32
        %get3A_225 = arith.index_cast %add3A_224 : i32 to index
        %get3A_226 = arith.index_cast %mul3A_42 : i32 to index
        %get3A_227 = tpu.vector_load %arg5[%get3A_225, %get3A_226] {strides = array<i32>} : memref<64x256xf32, #tpu.memory_space<vmem>>, vector<1x16xf32>,
        %get3A_228 = vector.shape_cast %get3A_227 : vector<1x16xf32> to vector<16xf32>
        %sub3A_229 = arith.subf %get3A_228, %scan3A_49#0 : vector<16xf32>
        %exp3A_230 = math.exp %sub3A_229 : vector<16xf32>
        %swap3A_231 = arith.index_cast %add3A_224 : i32 to index
        %swap3A_232 = arith.index_cast %mul3A_42 : i32 to index
        %swap3A_233 = tpu.vector_load %arg7[%swap3A_231, %swap3A_232] {strides = array<i32>} : memref<64x256xf32, #tpu.memory_space<vmem>>, vector<1x16xf32>,
        %swap3A_234 = vector.shape_cast %swap3A_233 : vector<1x16xf32> to vector<16xf32>
        %swap3A_235 = vector.shape_cast %exp3A_230 : vector<16xf32> to vector<1x16xf32>
        tpu.vector_store %arg7[%swap3A_231, %swap3A_232], %swap3A_235 {strides = array<i32>} : memref<64x256xf32, #tpu.memory_space<vmem>>, vector<1x16xf32>,
        %add3A_236 = arith.addf %add3A_220, %exp3A_230 : vector<16xf32>
        %mul3A_237 = arith.constant 8 : i32
        %mul3A_238 = arith.muli %scan3A_123, %mul3A_237 : i32
        %add3A_239 = arith.constant 7 : i32
        %add3A_240 = arith.addi %mul3A_238, %add3A_239 : i32
        %get3A_241 = arith.index_cast %add3A_240 : i32 to index
        %get3A_242 = arith.index_cast %mul3A_42 : i32 to index
        %get3A_243 = tpu.vector_load %arg5[%get3A_241, %get3A_242] {strides = array<i32>} : memref<64x256xf32, #tpu.memory_space<vmem>>, vector<1x16xf32>,
        %get3A_244 = vector.shape_cast %get3A_243 : vector<1x16xf32> to vector<16xf32>
        %sub3A_245 = arith.subf %get3A_244, %scan3A_49#0 : vector<16xf32>
        %exp3A_246 = math.exp %sub3A_245 : vector<16xf32>
        %swap3A_247 = arith.index_cast %add3A_240 : i32 to index
        %swap3A_248 = arith.index_cast %mul3A_42 : i32 to index
        %swap3A_249 = tpu.vector_load %arg7[%swap3A_247, %swap3A_248] {strides = array<i32>} : memref<64x256xf32, #tpu.memory_space<vmem>>, vector<1x16xf32>,
        %swap3A_250 = vector.shape_cast %swap3A_249 : vector<1x16xf32> to vector<16xf32>
        %swap3A_251 = vector.shape_cast %exp3A_246 : vector<16xf32> to vector<1x16xf32>
        tpu.vector_store %arg7[%swap3A_247, %swap3A_248], %swap3A_251 {strides = array<i32>} : memref<64x256xf32, #tpu.memory_space<vmem>>, vector<1x16xf32>,
        %add3A_252 = arith.addf %add3A_236, %exp3A_246 : vector<16xf32>
        scf.yield %add3A_252 : vector<16xf32>
      }
      %scan3A_56 = arith.constant 8 : i32
      %div3A = arith.constant 1.000000e+00 : f32
      %div3A_57 = vector.broadcast %div3A : f32 to vector<16xf32>
      %div3A_58 = arith.divf %div3A_57, %scan3A_55 : vector<16xf32>
      %ge3A = arith.constant 2.008550e+01 : f32
      %ge3A_59 = vector.broadcast %ge3A : f32 to vector<16xf32>
      %ge3A_60 = arith.cmpf oge, %scan3A_55, %ge3A_59 : vector<16xf32>
      %ge3A_61 = arith.constant 7.389100e+00 : f32
      %ge3A_62 = vector.broadcast %ge3A_61 : f32 to vector<16xf32>
      %ge3A_63 = arith.cmpf oge, %scan3A_55, %ge3A_62 : vector<16xf32>
      %ge3A_64 = arith.constant 2.718300e+00 : f32
      %ge3A_65 = vector.broadcast %ge3A_64 : f32 to vector<16xf32>
      %ge3A_66 = arith.cmpf oge, %scan3A_55, %ge3A_65 : vector<16xf32>
      %jit3A = arith.constant 1.500000e+00 : f32
      %jit3A_67 = arith.constant 5.000000e-01 : f32
      %broadcast_in_dim3A_68 = vector.broadcast %jit3A : f32 to vector<16xf32>
      %broadcast_in_dim3A_69 = vector.broadcast %jit3A_67 : f32 to vector<16xf32>
      %select_n3A = arith.select %ge3A_66, %broadcast_in_dim3A_68, %broadcast_in_dim3A_69 : vector<16xi1>, vector<16xf32>
      %jit3A_70 = arith.constant 2.500000e+00 : f32
      %broadcast_in_dim3A_71 = vector.broadcast %jit3A_70 : f32 to vector<16xf32>
      %select_n3A_72 = arith.select %ge3A_63, %broadcast_in_dim3A_71, %select_n3A : vector<16xi1>, vector<16xf32>
      %jit3A_73 = arith.constant 3.500000e+00 : f32
      %broadcast_in_dim3A_74 = vector.broadcast %jit3A_73 : f32 to vector<16xf32>
      %select_n3A_75 = arith.select %ge3A_60, %broadcast_in_dim3A_74, %select_n3A_72 : vector<16xi1>, vector<16xf32>
      %scan3A_76 = arith.constant 0 : i32
      %scan3A_77 = arith.constant 5 : i32
      %scan3A_78 = arith.addi %scan3A_76, %scan3A_77 : i32
      %scan3A_79 = arith.constant 1 : i32
      %scan3A_80 = scf.for %scan3A_123 = %scan3A_76 to %scan3A_78 step %scan3A_79 iter_args(%scan3A_124 = %select_n3A_75) -> (vector<16xf32>)  : i32 {
        %sub3A_125 = arith.constant 1.000000e+00 : f32
        %sub3A_126 = vector.broadcast %sub3A_125 : f32 to vector<16xf32>
        %sub3A_127 = arith.subf %scan3A_124, %sub3A_126 : vector<16xf32>
        %neg3A = arith.constant 0.000000e+00 : f32
        %neg3A_128 = vector.broadcast %neg3A : f32 to vector<16xf32>
        %neg3A_129 = arith.subf %neg3A_128, %scan3A_124 : vector<16xf32>
        %exp3A_130 = math.exp %neg3A_129 : vector<16xf32>
        %mul3A_131 = arith.mulf %scan3A_55, %exp3A_130 : vector<16xf32>
        %add3A_132 = arith.addf %sub3A_127, %mul3A_131 : vector<16xf32>
        scf.yield %add3A_132 : vector<16xf32>
      }
      %scan3A_81 = arith.constant 5 : i32
      %add3A_82 = arith.addf %scan3A_49#0, %scan3A_80 : vector<16xf32>
      %mul3A_83 = arith.constant 1.200000e+00 : f32
      %mul3A_84 = vector.broadcast %mul3A_83 : f32 to vector<16xf32>
      %mul3A_85 = arith.mulf %mul3A_84, %add3A_82 : vector<16xf32>
      %sub3A = arith.subf %scan3A_49#1, %scan3A_49#0 : vector<16xf32>
      %exp3A = math.exp %sub3A : vector<16xf32>
      %scan3A_86 = arith.constant 0 : i32
      %scan3A_87 = arith.constant 8 : i32
      %scan3A_88 = arith.addi %scan3A_86, %scan3A_87 : i32
      %scan3A_89 = arith.constant 1 : i32
      %scan3A_90:2 = scf.for %scan3A_123 = %scan3A_86 to %scan3A_88 step %scan3A_89 iter_args(%scan3A_124 = %scan3A_38, %scan3A_125 = %broadcast_in_dim3A_1) -> (vector<16xf32>, vector<16xf32>)  : i32 {
        %mul3A_126 = arith.constant 8 : i32
        %mul3A_127 = arith.muli %scan3A_123, %mul3A_126 : i32
        %add3A_128 = arith.constant 0 : i32
        %add3A_129 = arith.addi %mul3A_127, %add3A_128 : i32
        %get3A_130 = arith.index_cast %add3A_129 : i32 to index
        %get3A_131 = arith.index_cast %mul3A_42 : i32 to index
        %get3A_132 = tpu.vector_load %arg7[%get3A_130, %get3A_131] {strides = array<i32>} : memref<64x256xf32, #tpu.memory_space<vmem>>, vector<1x16xf32>,
        %get3A_133 = vector.shape_cast %get3A_132 : vector<1x16xf32> to vector<16xf32>
        %mul3A_134 = arith.mulf %get3A_133, %div3A_58 : vector<16xf32>
        %max3A = arith.constant 9.99999974E-6 : f32
        %max3A_135 = vector.broadcast %max3A : f32 to vector<16xf32>
        %max3A_136 = arith.maximumf %mul3A_134, %max3A_135 : vector<16xf32>
        %add3A_137 = arith.addf %scan3A_124, %max3A_136 : vector<16xf32>
        %get3A_138 = arith.index_cast %add3A_129 : i32 to index
        %get3A_139 = arith.index_cast %mul3A_42 : i32 to index
        %get3A_140 = tpu.vector_load %arg5[%get3A_138, %get3A_139] {strides = array<i32>} : memref<64x256xf32, #tpu.memory_space<vmem>>, vector<1x16xf32>,
        %get3A_141 = vector.shape_cast %get3A_140 : vector<1x16xf32> to vector<16xf32>
        %mul3A_142 = arith.constant 1.200000e+00 : f32
        %mul3A_143 = vector.broadcast %mul3A_142 : f32 to vector<16xf32>
        %mul3A_144 = arith.mulf %mul3A_143, %get3A_141 : vector<16xf32>
        %sub3A_145 = arith.subf %mul3A_144, %mul3A_85 : vector<16xf32>
        %exp3A_146 = math.exp %sub3A_145 : vector<16xf32>
        %max3A_147 = arith.constant 9.99999997E-7 : f32
        %max3A_148 = vector.broadcast %max3A_147 : f32 to vector<16xf32>
        %max3A_149 = arith.maximumf %exp3A_146, %max3A_148 : vector<16xf32>
        %add3A_150 = arith.addf %scan3A_125, %max3A_149 : vector<16xf32>
        %mul3A_151 = arith.constant 8 : i32
        %mul3A_152 = arith.muli %scan3A_123, %mul3A_151 : i32
        %add3A_153 = arith.constant 1 : i32
        %add3A_154 = arith.addi %mul3A_152, %add3A_153 : i32
        %get3A_155 = arith.index_cast %add3A_154 : i32 to index
        %get3A_156 = arith.index_cast %mul3A_42 : i32 to index
        %get3A_157 = tpu.vector_load %arg7[%get3A_155, %get3A_156] {strides = array<i32>} : memref<64x256xf32, #tpu.memory_space<vmem>>, vector<1x16xf32>,
        %get3A_158 = vector.shape_cast %get3A_157 : vector<1x16xf32> to vector<16xf32>
        %mul3A_159 = arith.mulf %get3A_158, %div3A_58 : vector<16xf32>
        %max3A_160 = arith.constant 9.99999974E-6 : f32
        %max3A_161 = vector.broadcast %max3A_160 : f32 to vector<16xf32>
        %max3A_162 = arith.maximumf %mul3A_159, %max3A_161 : vector<16xf32>
        %add3A_163 = arith.addf %add3A_137, %max3A_162 : vector<16xf32>
        %get3A_164 = arith.index_cast %add3A_154 : i32 to index
        %get3A_165 = arith.index_cast %mul3A_42 : i32 to index
        %get3A_166 = tpu.vector_load %arg5[%get3A_164, %get3A_165] {strides = array<i32>} : memref<64x256xf32, #tpu.memory_space<vmem>>, vector<1x16xf32>,
        %get3A_167 = vector.shape_cast %get3A_166 : vector<1x16xf32> to vector<16xf32>
        %mul3A_168 = arith.constant 1.200000e+00 : f32
        %mul3A_169 = vector.broadcast %mul3A_168 : f32 to vector<16xf32>
        %mul3A_170 = arith.mulf %mul3A_169, %get3A_167 : vector<16xf32>
        %sub3A_171 = arith.subf %mul3A_170, %mul3A_85 : vector<16xf32>
        %exp3A_172 = math.exp %sub3A_171 : vector<16xf32>
        %max3A_173 = arith.constant 9.99999997E-7 : f32
        %max3A_174 = vector.broadcast %max3A_173 : f32 to vector<16xf32>
        %max3A_175 = arith.maximumf %exp3A_172, %max3A_174 : vector<16xf32>
        %add3A_176 = arith.addf %add3A_150, %max3A_175 : vector<16xf32>
        %mul3A_177 = arith.constant 8 : i32
        %mul3A_178 = arith.muli %scan3A_123, %mul3A_177 : i32
        %add3A_179 = arith.constant 2 : i32
        %add3A_180 = arith.addi %mul3A_178, %add3A_179 : i32
        %get3A_181 = arith.index_cast %add3A_180 : i32 to index
        %get3A_182 = arith.index_cast %mul3A_42 : i32 to index
        %get3A_183 = tpu.vector_load %arg7[%get3A_181, %get3A_182] {strides = array<i32>} : memref<64x256xf32, #tpu.memory_space<vmem>>, vector<1x16xf32>,
        %get3A_184 = vector.shape_cast %get3A_183 : vector<1x16xf32> to vector<16xf32>
        %mul3A_185 = arith.mulf %get3A_184, %div3A_58 : vector<16xf32>
        %max3A_186 = arith.constant 9.99999974E-6 : f32
        %max3A_187 = vector.broadcast %max3A_186 : f32 to vector<16xf32>
        %max3A_188 = arith.maximumf %mul3A_185, %max3A_187 : vector<16xf32>
        %add3A_189 = arith.addf %add3A_163, %max3A_188 : vector<16xf32>
        %get3A_190 = arith.index_cast %add3A_180 : i32 to index
        %get3A_191 = arith.index_cast %mul3A_42 : i32 to index
        %get3A_192 = tpu.vector_load %arg5[%get3A_190, %get3A_191] {strides = array<i32>} : memref<64x256xf32, #tpu.memory_space<vmem>>, vector<1x16xf32>,
        %get3A_193 = vector.shape_cast %get3A_192 : vector<1x16xf32> to vector<16xf32>
        %mul3A_194 = arith.constant 1.200000e+00 : f32
        %mul3A_195 = vector.broadcast %mul3A_194 : f32 to vector<16xf32>
        %mul3A_196 = arith.mulf %mul3A_195, %get3A_193 : vector<16xf32>
        %sub3A_197 = arith.subf %mul3A_196, %mul3A_85 : vector<16xf32>
        %exp3A_198 = math.exp %sub3A_197 : vector<16xf32>
        %max3A_199 = arith.constant 9.99999997E-7 : f32
        %max3A_200 = vector.broadcast %max3A_199 : f32 to vector<16xf32>
        %max3A_201 = arith.maximumf %exp3A_198, %max3A_200 : vector<16xf32>
        %add3A_202 = arith.addf %add3A_176, %max3A_201 : vector<16xf32>
        %mul3A_203 = arith.constant 8 : i32
        %mul3A_204 = arith.muli %scan3A_123, %mul3A_203 : i32
        %add3A_205 = arith.constant 3 : i32
        %add3A_206 = arith.addi %mul3A_204, %add3A_205 : i32
        %get3A_207 = arith.index_cast %add3A_206 : i32 to index
        %get3A_208 = arith.index_cast %mul3A_42 : i32 to index
        %get3A_209 = tpu.vector_load %arg7[%get3A_207, %get3A_208] {strides = array<i32>} : memref<64x256xf32, #tpu.memory_space<vmem>>, vector<1x16xf32>,
        %get3A_210 = vector.shape_cast %get3A_209 : vector<1x16xf32> to vector<16xf32>
        %mul3A_211 = arith.mulf %get3A_210, %div3A_58 : vector<16xf32>
        %max3A_212 = arith.constant 9.99999974E-6 : f32
        %max3A_213 = vector.broadcast %max3A_212 : f32 to vector<16xf32>
        %max3A_214 = arith.maximumf %mul3A_211, %max3A_213 : vector<16xf32>
        %add3A_215 = arith.addf %add3A_189, %max3A_214 : vector<16xf32>
        %get3A_216 = arith.index_cast %add3A_206 : i32 to index
        %get3A_217 = arith.index_cast %mul3A_42 : i32 to index
        %get3A_218 = tpu.vector_load %arg5[%get3A_216, %get3A_217] {strides = array<i32>} : memref<64x256xf32, #tpu.memory_space<vmem>>, vector<1x16xf32>,
        %get3A_219 = vector.shape_cast %get3A_218 : vector<1x16xf32> to vector<16xf32>
        %mul3A_220 = arith.constant 1.200000e+00 : f32
        %mul3A_221 = vector.broadcast %mul3A_220 : f32 to vector<16xf32>
        %mul3A_222 = arith.mulf %mul3A_221, %get3A_219 : vector<16xf32>
        %sub3A_223 = arith.subf %mul3A_222, %mul3A_85 : vector<16xf32>
        %exp3A_224 = math.exp %sub3A_223 : vector<16xf32>
        %max3A_225 = arith.constant 9.99999997E-7 : f32
        %max3A_226 = vector.broadcast %max3A_225 : f32 to vector<16xf32>
        %max3A_227 = arith.maximumf %exp3A_224, %max3A_226 : vector<16xf32>
        %add3A_228 = arith.addf %add3A_202, %max3A_227 : vector<16xf32>
        %mul3A_229 = arith.constant 8 : i32
        %mul3A_230 = arith.muli %scan3A_123, %mul3A_229 : i32
        %add3A_231 = arith.constant 4 : i32
        %add3A_232 = arith.addi %mul3A_230, %add3A_231 : i32
        %get3A_233 = arith.index_cast %add3A_232 : i32 to index
        %get3A_234 = arith.index_cast %mul3A_42 : i32 to index
        %get3A_235 = tpu.vector_load %arg7[%get3A_233, %get3A_234] {strides = array<i32>} : memref<64x256xf32, #tpu.memory_space<vmem>>, vector<1x16xf32>,
        %get3A_236 = vector.shape_cast %get3A_235 : vector<1x16xf32> to vector<16xf32>
        %mul3A_237 = arith.mulf %get3A_236, %div3A_58 : vector<16xf32>
        %max3A_238 = arith.constant 9.99999974E-6 : f32
        %max3A_239 = vector.broadcast %max3A_238 : f32 to vector<16xf32>
        %max3A_240 = arith.maximumf %mul3A_237, %max3A_239 : vector<16xf32>
        %add3A_241 = arith.addf %add3A_215, %max3A_240 : vector<16xf32>
        %get3A_242 = arith.index_cast %add3A_232 : i32 to index
        %get3A_243 = arith.index_cast %mul3A_42 : i32 to index
        %get3A_244 = tpu.vector_load %arg5[%get3A_242, %get3A_243] {strides = array<i32>} : memref<64x256xf32, #tpu.memory_space<vmem>>, vector<1x16xf32>,
        %get3A_245 = vector.shape_cast %get3A_244 : vector<1x16xf32> to vector<16xf32>
        %mul3A_246 = arith.constant 1.200000e+00 : f32
        %mul3A_247 = vector.broadcast %mul3A_246 : f32 to vector<16xf32>
        %mul3A_248 = arith.mulf %mul3A_247, %get3A_245 : vector<16xf32>
        %sub3A_249 = arith.subf %mul3A_248, %mul3A_85 : vector<16xf32>
        %exp3A_250 = math.exp %sub3A_249 : vector<16xf32>
        %max3A_251 = arith.constant 9.99999997E-7 : f32
        %max3A_252 = vector.broadcast %max3A_251 : f32 to vector<16xf32>
        %max3A_253 = arith.maximumf %exp3A_250, %max3A_252 : vector<16xf32>
        %add3A_254 = arith.addf %add3A_228, %max3A_253 : vector<16xf32>
        %mul3A_255 = arith.constant 8 : i32
        %mul3A_256 = arith.muli %scan3A_123, %mul3A_255 : i32
        %add3A_257 = arith.constant 5 : i32
        %add3A_258 = arith.addi %mul3A_256, %add3A_257 : i32
        %get3A_259 = arith.index_cast %add3A_258 : i32 to index
        %get3A_260 = arith.index_cast %mul3A_42 : i32 to index
        %get3A_261 = tpu.vector_load %arg7[%get3A_259, %get3A_260] {strides = array<i32>} : memref<64x256xf32, #tpu.memory_space<vmem>>, vector<1x16xf32>,
        %get3A_262 = vector.shape_cast %get3A_261 : vector<1x16xf32> to vector<16xf32>
        %mul3A_263 = arith.mulf %get3A_262, %div3A_58 : vector<16xf32>
        %max3A_264 = arith.constant 9.99999974E-6 : f32
        %max3A_265 = vector.broadcast %max3A_264 : f32 to vector<16xf32>
        %max3A_266 = arith.maximumf %mul3A_263, %max3A_265 : vector<16xf32>
        %add3A_267 = arith.addf %add3A_241, %max3A_266 : vector<16xf32>
        %get3A_268 = arith.index_cast %add3A_258 : i32 to index
        %get3A_269 = arith.index_cast %mul3A_42 : i32 to index
        %get3A_270 = tpu.vector_load %arg5[%get3A_268, %get3A_269] {strides = array<i32>} : memref<64x256xf32, #tpu.memory_space<vmem>>, vector<1x16xf32>,
        %get3A_271 = vector.shape_cast %get3A_270 : vector<1x16xf32> to vector<16xf32>
        %mul3A_272 = arith.constant 1.200000e+00 : f32
        %mul3A_273 = vector.broadcast %mul3A_272 : f32 to vector<16xf32>
        %mul3A_274 = arith.mulf %mul3A_273, %get3A_271 : vector<16xf32>
        %sub3A_275 = arith.subf %mul3A_274, %mul3A_85 : vector<16xf32>
        %exp3A_276 = math.exp %sub3A_275 : vector<16xf32>
        %max3A_277 = arith.constant 9.99999997E-7 : f32
        %max3A_278 = vector.broadcast %max3A_277 : f32 to vector<16xf32>
        %max3A_279 = arith.maximumf %exp3A_276, %max3A_278 : vector<16xf32>
        %add3A_280 = arith.addf %add3A_254, %max3A_279 : vector<16xf32>
        %mul3A_281 = arith.constant 8 : i32
        %mul3A_282 = arith.muli %scan3A_123, %mul3A_281 : i32
        %add3A_283 = arith.constant 6 : i32
        %add3A_284 = arith.addi %mul3A_282, %add3A_283 : i32
        %get3A_285 = arith.index_cast %add3A_284 : i32 to index
        %get3A_286 = arith.index_cast %mul3A_42 : i32 to index
        %get3A_287 = tpu.vector_load %arg7[%get3A_285, %get3A_286] {strides = array<i32>} : memref<64x256xf32, #tpu.memory_space<vmem>>, vector<1x16xf32>,
        %get3A_288 = vector.shape_cast %get3A_287 : vector<1x16xf32> to vector<16xf32>
        %mul3A_289 = arith.mulf %get3A_288, %div3A_58 : vector<16xf32>
        %max3A_290 = arith.constant 9.99999974E-6 : f32
        %max3A_291 = vector.broadcast %max3A_290 : f32 to vector<16xf32>
        %max3A_292 = arith.maximumf %mul3A_289, %max3A_291 : vector<16xf32>
        %add3A_293 = arith.addf %add3A_267, %max3A_292 : vector<16xf32>
        %get3A_294 = arith.index_cast %add3A_284 : i32 to index
        %get3A_295 = arith.index_cast %mul3A_42 : i32 to index
        %get3A_296 = tpu.vector_load %arg5[%get3A_294, %get3A_295] {strides = array<i32>} : memref<64x256xf32, #tpu.memory_space<vmem>>, vector<1x16xf32>,
        %get3A_297 = vector.shape_cast %get3A_296 : vector<1x16xf32> to vector<16xf32>
        %mul3A_298 = arith.constant 1.200000e+00 : f32
        %mul3A_299 = vector.broadcast %mul3A_298 : f32 to vector<16xf32>
        %mul3A_300 = arith.mulf %mul3A_299, %get3A_297 : vector<16xf32>
        %sub3A_301 = arith.subf %mul3A_300, %mul3A_85 : vector<16xf32>
        %exp3A_302 = math.exp %sub3A_301 : vector<16xf32>
        %max3A_303 = arith.constant 9.99999997E-7 : f32
        %max3A_304 = vector.broadcast %max3A_303 : f32 to vector<16xf32>
        %max3A_305 = arith.maximumf %exp3A_302, %max3A_304 : vector<16xf32>
        %add3A_306 = arith.addf %add3A_280, %max3A_305 : vector<16xf32>
        %mul3A_307 = arith.constant 8 : i32
        %mul3A_308 = arith.muli %scan3A_123, %mul3A_307 : i32
        %add3A_309 = arith.constant 7 : i32
        %add3A_310 = arith.addi %mul3A_308, %add3A_309 : i32
        %get3A_311 = arith.index_cast %add3A_310 : i32 to index
        %get3A_312 = arith.index_cast %mul3A_42 : i32 to index
        %get3A_313 = tpu.vector_load %arg7[%get3A_311, %get3A_312] {strides = array<i32>} : memref<64x256xf32, #tpu.memory_space<vmem>>, vector<1x16xf32>,
        %get3A_314 = vector.shape_cast %get3A_313 : vector<1x16xf32> to vector<16xf32>
        %mul3A_315 = arith.mulf %get3A_314, %div3A_58 : vector<16xf32>
        %max3A_316 = arith.constant 9.99999974E-6 : f32
        %max3A_317 = vector.broadcast %max3A_316 : f32 to vector<16xf32>
        %max3A_318 = arith.maximumf %mul3A_315, %max3A_317 : vector<16xf32>
        %add3A_319 = arith.addf %add3A_293, %max3A_318 : vector<16xf32>
        %get3A_320 = arith.index_cast %add3A_310 : i32 to index
        %get3A_321 = arith.index_cast %mul3A_42 : i32 to index
        %get3A_322 = tpu.vector_load %arg5[%get3A_320, %get3A_321] {strides = array<i32>} : memref<64x256xf32, #tpu.memory_space<vmem>>, vector<1x16xf32>,
        %get3A_323 = vector.shape_cast %get3A_322 : vector<1x16xf32> to vector<16xf32>
        %mul3A_324 = arith.constant 1.200000e+00 : f32
        %mul3A_325 = vector.broadcast %mul3A_324 : f32 to vector<16xf32>
        %mul3A_326 = arith.mulf %mul3A_325, %get3A_323 : vector<16xf32>
        %sub3A_327 = arith.subf %mul3A_326, %mul3A_85 : vector<16xf32>
        %exp3A_328 = math.exp %sub3A_327 : vector<16xf32>
        %max3A_329 = arith.constant 9.99999997E-7 : f32
        %max3A_330 = vector.broadcast %max3A_329 : f32 to vector<16xf32>
        %max3A_331 = arith.maximumf %exp3A_328, %max3A_330 : vector<16xf32>
        %add3A_332 = arith.addf %add3A_306, %max3A_331 : vector<16xf32>
        scf.yield %add3A_319, %add3A_332 : vector<16xf32>, vector<16xf32>
      }
      %scan3A_91 = arith.constant 8 : i32
      %add3A_92 = arith.addf %scan3A_39, %scan3A_90#1 : vector<16xf32>
      %sub3A_93 = arith.constant 1.000000e+00 : f32
      %sub3A_94 = vector.broadcast %sub3A_93 : f32 to vector<16xf32>
      %sub3A_95 = arith.subf %sub3A_94, %scan3A_90#1 : vector<16xf32>
      %div3A_96 = arith.constant 2.000000e-01 : f32
      %div3A_97 = vector.broadcast %div3A_96 : f32 to vector<16xf32>
      %div3A_98 = arith.divf %sub3A_95, %div3A_97 : vector<16xf32>
      %ge3A_99 = arith.constant 2.500000e+00 : f32
      %ge3A_100 = vector.broadcast %ge3A_99 : f32 to vector<16xf32>
      %ge3A_101 = arith.cmpf oge, %div3A_98, %ge3A_100 : vector<16xf32>
      %mul3A_102 = arith.constant 7.500000e-01 : f32
      %mul3A_103 = vector.broadcast %mul3A_102 : f32 to vector<16xf32>
      %mul3A_104 = arith.mulf %mul3A_103, %scan3A_55 : vector<16xf32>
      %broadcast_in_dim3A_105 = arith.constant 2.000000e+00 : f32
      %broadcast_in_dim3A_106 = vector.broadcast %broadcast_in_dim3A_105 : f32 to vector<16xf32>
      %scan3A_107 = arith.constant 0 : i32
      %scan3A_108 = arith.constant 16 : i32
      %scan3A_109 = arith.addi %scan3A_107, %scan3A_108 : i32
      %scan3A_110 = arith.constant 1 : i32
      %scan3A_111:2 = scf.for %scan3A_123 = %scan3A_107 to %scan3A_109 step %scan3A_110 iter_args(%scan3A_124 = %broadcast_in_dim3A_1, %scan3A_125 = %broadcast_in_dim3A_106) -> (vector<16xf32>, vector<16xf32>)  : i32 {
        %add3A_126 = arith.addf %scan3A_124, %scan3A_125 : vector<16xf32>
        %mul3A_127 = arith.constant 5.000000e-01 : f32
        %mul3A_128 = vector.broadcast %mul3A_127 : f32 to vector<16xf32>
        %mul3A_129 = arith.mulf %mul3A_128, %add3A_126 : vector<16xf32>
        %scan3A_130 = arith.constant 0 : i32
        %scan3A_131 = arith.constant 8 : i32
        %scan3A_132 = arith.addi %scan3A_130, %scan3A_131 : i32
        %scan3A_133 = arith.constant 1 : i32
        %scan3A_134 = scf.for %scan3A_138 = %scan3A_130 to %scan3A_132 step %scan3A_133 iter_args(%scan3A_139 = %broadcast_in_dim3A_1) -> (vector<16xf32>)  : i32 {
          %mul3A_140 = arith.constant 8 : i32
          %mul3A_141 = arith.muli %scan3A_138, %mul3A_140 : i32
          %add3A_142 = arith.constant 0 : i32
          %add3A_143 = arith.addi %mul3A_141, %add3A_142 : i32
          %get3A_144 = arith.index_cast %add3A_143 : i32 to index
          %get3A_145 = arith.index_cast %mul3A_42 : i32 to index
          %get3A_146 = tpu.vector_load %arg7[%get3A_144, %get3A_145] {strides = array<i32>} : memref<64x256xf32, #tpu.memory_space<vmem>>, vector<1x16xf32>,
          %get3A_147 = vector.shape_cast %get3A_146 : vector<1x16xf32> to vector<16xf32>
          %ge3A_148 = arith.cmpf oge, %get3A_147, %mul3A_129 : vector<16xf32>
          %jit3A_149 = arith.constant 0.000000e+00 : f32
          %broadcast_in_dim3A_150 = vector.broadcast %jit3A_149 : f32 to vector<16xf32>
          %select_n3A_151 = arith.select %ge3A_148, %get3A_147, %broadcast_in_dim3A_150 : vector<16xi1>, vector<16xf32>
          %add3A_152 = arith.addf %scan3A_139, %select_n3A_151 : vector<16xf32>
          %mul3A_153 = arith.constant 8 : i32
          %mul3A_154 = arith.muli %scan3A_138, %mul3A_153 : i32
          %add3A_155 = arith.constant 1 : i32
          %add3A_156 = arith.addi %mul3A_154, %add3A_155 : i32
          %get3A_157 = arith.index_cast %add3A_156 : i32 to index
          %get3A_158 = arith.index_cast %mul3A_42 : i32 to index
          %get3A_159 = tpu.vector_load %arg7[%get3A_157, %get3A_158] {strides = array<i32>} : memref<64x256xf32, #tpu.memory_space<vmem>>, vector<1x16xf32>,
          %get3A_160 = vector.shape_cast %get3A_159 : vector<1x16xf32> to vector<16xf32>
          %ge3A_161 = arith.cmpf oge, %get3A_160, %mul3A_129 : vector<16xf32>
          %jit3A_162 = arith.constant 0.000000e+00 : f32
          %broadcast_in_dim3A_163 = vector.broadcast %jit3A_162 : f32 to vector<16xf32>
          %select_n3A_164 = arith.select %ge3A_161, %get3A_160, %broadcast_in_dim3A_163 : vector<16xi1>, vector<16xf32>
          %add3A_165 = arith.addf %add3A_152, %select_n3A_164 : vector<16xf32>
          %mul3A_166 = arith.constant 8 : i32
          %mul3A_167 = arith.muli %scan3A_138, %mul3A_166 : i32
          %add3A_168 = arith.constant 2 : i32
          %add3A_169 = arith.addi %mul3A_167, %add3A_168 : i32
          %get3A_170 = arith.index_cast %add3A_169 : i32 to index
          %get3A_171 = arith.index_cast %mul3A_42 : i32 to index
          %get3A_172 = tpu.vector_load %arg7[%get3A_170, %get3A_171] {strides = array<i32>} : memref<64x256xf32, #tpu.memory_space<vmem>>, vector<1x16xf32>,
          %get3A_173 = vector.shape_cast %get3A_172 : vector<1x16xf32> to vector<16xf32>
          %ge3A_174 = arith.cmpf oge, %get3A_173, %mul3A_129 : vector<16xf32>
          %jit3A_175 = arith.constant 0.000000e+00 : f32
          %broadcast_in_dim3A_176 = vector.broadcast %jit3A_175 : f32 to vector<16xf32>
          %select_n3A_177 = arith.select %ge3A_174, %get3A_173, %broadcast_in_dim3A_176 : vector<16xi1>, vector<16xf32>
          %add3A_178 = arith.addf %add3A_165, %select_n3A_177 : vector<16xf32>
          %mul3A_179 = arith.constant 8 : i32
          %mul3A_180 = arith.muli %scan3A_138, %mul3A_179 : i32
          %add3A_181 = arith.constant 3 : i32
          %add3A_182 = arith.addi %mul3A_180, %add3A_181 : i32
          %get3A_183 = arith.index_cast %add3A_182 : i32 to index
          %get3A_184 = arith.index_cast %mul3A_42 : i32 to index
          %get3A_185 = tpu.vector_load %arg7[%get3A_183, %get3A_184] {strides = array<i32>} : memref<64x256xf32, #tpu.memory_space<vmem>>, vector<1x16xf32>,
          %get3A_186 = vector.shape_cast %get3A_185 : vector<1x16xf32> to vector<16xf32>
          %ge3A_187 = arith.cmpf oge, %get3A_186, %mul3A_129 : vector<16xf32>
          %jit3A_188 = arith.constant 0.000000e+00 : f32
          %broadcast_in_dim3A_189 = vector.broadcast %jit3A_188 : f32 to vector<16xf32>
          %select_n3A_190 = arith.select %ge3A_187, %get3A_186, %broadcast_in_dim3A_189 : vector<16xi1>, vector<16xf32>
          %add3A_191 = arith.addf %add3A_178, %select_n3A_190 : vector<16xf32>
          %mul3A_192 = arith.constant 8 : i32
          %mul3A_193 = arith.muli %scan3A_138, %mul3A_192 : i32
          %add3A_194 = arith.constant 4 : i32
          %add3A_195 = arith.addi %mul3A_193, %add3A_194 : i32
          %get3A_196 = arith.index_cast %add3A_195 : i32 to index
          %get3A_197 = arith.index_cast %mul3A_42 : i32 to index
          %get3A_198 = tpu.vector_load %arg7[%get3A_196, %get3A_197] {strides = array<i32>} : memref<64x256xf32, #tpu.memory_space<vmem>>, vector<1x16xf32>,
          %get3A_199 = vector.shape_cast %get3A_198 : vector<1x16xf32> to vector<16xf32>
          %ge3A_200 = arith.cmpf oge, %get3A_199, %mul3A_129 : vector<16xf32>
          %jit3A_201 = arith.constant 0.000000e+00 : f32
          %broadcast_in_dim3A_202 = vector.broadcast %jit3A_201 : f32 to vector<16xf32>
          %select_n3A_203 = arith.select %ge3A_200, %get3A_199, %broadcast_in_dim3A_202 : vector<16xi1>, vector<16xf32>
          %add3A_204 = arith.addf %add3A_191, %select_n3A_203 : vector<16xf32>
          %mul3A_205 = arith.constant 8 : i32
          %mul3A_206 = arith.muli %scan3A_138, %mul3A_205 : i32
          %add3A_207 = arith.constant 5 : i32
          %add3A_208 = arith.addi %mul3A_206, %add3A_207 : i32
          %get3A_209 = arith.index_cast %add3A_208 : i32 to index
          %get3A_210 = arith.index_cast %mul3A_42 : i32 to index
          %get3A_211 = tpu.vector_load %arg7[%get3A_209, %get3A_210] {strides = array<i32>} : memref<64x256xf32, #tpu.memory_space<vmem>>, vector<1x16xf32>,
          %get3A_212 = vector.shape_cast %get3A_211 : vector<1x16xf32> to vector<16xf32>
          %ge3A_213 = arith.cmpf oge, %get3A_212, %mul3A_129 : vector<16xf32>
          %jit3A_214 = arith.constant 0.000000e+00 : f32
          %broadcast_in_dim3A_215 = vector.broadcast %jit3A_214 : f32 to vector<16xf32>
          %select_n3A_216 = arith.select %ge3A_213, %get3A_212, %broadcast_in_dim3A_215 : vector<16xi1>, vector<16xf32>
          %add3A_217 = arith.addf %add3A_204, %select_n3A_216 : vector<16xf32>
          %mul3A_218 = arith.constant 8 : i32
          %mul3A_219 = arith.muli %scan3A_138, %mul3A_218 : i32
          %add3A_220 = arith.constant 6 : i32
          %add3A_221 = arith.addi %mul3A_219, %add3A_220 : i32
          %get3A_222 = arith.index_cast %add3A_221 : i32 to index
          %get3A_223 = arith.index_cast %mul3A_42 : i32 to index
          %get3A_224 = tpu.vector_load %arg7[%get3A_222, %get3A_223] {strides = array<i32>} : memref<64x256xf32, #tpu.memory_space<vmem>>, vector<1x16xf32>,
          %get3A_225 = vector.shape_cast %get3A_224 : vector<1x16xf32> to vector<16xf32>
          %ge3A_226 = arith.cmpf oge, %get3A_225, %mul3A_129 : vector<16xf32>
          %jit3A_227 = arith.constant 0.000000e+00 : f32
          %broadcast_in_dim3A_228 = vector.broadcast %jit3A_227 : f32 to vector<16xf32>
          %select_n3A_229 = arith.select %ge3A_226, %get3A_225, %broadcast_in_dim3A_228 : vector<16xi1>, vector<16xf32>
          %add3A_230 = arith.addf %add3A_217, %select_n3A_229 : vector<16xf32>
          %mul3A_231 = arith.constant 8 : i32
          %mul3A_232 = arith.muli %scan3A_138, %mul3A_231 : i32
          %add3A_233 = arith.constant 7 : i32
          %add3A_234 = arith.addi %mul3A_232, %add3A_233 : i32
          %get3A_235 = arith.index_cast %add3A_234 : i32 to index
          %get3A_236 = arith.index_cast %mul3A_42 : i32 to index
          %get3A_237 = tpu.vector_load %arg7[%get3A_235, %get3A_236] {strides = array<i32>} : memref<64x256xf32, #tpu.memory_space<vmem>>, vector<1x16xf32>,
          %get3A_238 = vector.shape_cast %get3A_237 : vector<1x16xf32> to vector<16xf32>
          %ge3A_239 = arith.cmpf oge, %get3A_238, %mul3A_129 : vector<16xf32>
          %jit3A_240 = arith.constant 0.000000e+00 : f32
          %broadcast_in_dim3A_241 = vector.broadcast %jit3A_240 : f32 to vector<16xf32>
          %select_n3A_242 = arith.select %ge3A_239, %get3A_238, %broadcast_in_dim3A_241 : vector<16xi1>, vector<16xf32>
          %add3A_243 = arith.addf %add3A_230, %select_n3A_242 : vector<16xf32>
          scf.yield %add3A_243 : vector<16xf32>
        }
        %scan3A_135 = arith.constant 8 : i32
        %le3A = arith.cmpf ole, %scan3A_134, %mul3A_104 : vector<16xf32>
        %select_n3A_136 = arith.select %le3A, %scan3A_124, %mul3A_129 : vector<16xi1>, vector<16xf32>
        %select_n3A_137 = arith.select %le3A, %mul3A_129, %scan3A_125 : vector<16xi1>, vector<16xf32>
        scf.yield %select_n3A_136, %select_n3A_137 : vector<16xf32>, vector<16xf32>
      }
      %scan3A_112 = arith.constant 16 : i32
      %get3A = arith.index_cast %mul3A_42 : i32 to index
      %get3A_113 = tpu.vector_load %arg6[%get3A] {strides = array<i32>} : memref<256xf32, #tpu.memory_space<vmem>>, vector<16xf32>,
      %get3A_114 = vector.shape_cast %get3A_113 : vector<16xf32> to vector<16xf32>
      %mul3A_115 = arith.mulf %div3A_58, %get3A_114 : vector<16xf32>
      %scan3A_116 = arith.constant 0 : i32
      %scan3A_117 = arith.constant 0 : i32
      %scan3A_118 = arith.constant 8 : i32
      %scan3A_119 = arith.addi %scan3A_117, %scan3A_118 : i32
      %scan3A_120 = arith.constant 1 : i32
      scf.for %scan3A_123 = %scan3A_117 to %scan3A_119 step %scan3A_120  : i32 {
        %mul3A_124 = arith.constant 8 : i32
        %mul3A_125 = arith.muli %scan3A_123, %mul3A_124 : i32
        %add3A_126 = arith.constant 0 : i32
        %add3A_127 = arith.addi %mul3A_125, %add3A_126 : i32
        %get3A_128 = arith.index_cast %add3A_127 : i32 to index
        %get3A_129 = arith.index_cast %mul3A_42 : i32 to index
        %get3A_130 = tpu.vector_load %arg7[%get3A_128, %get3A_129] {strides = array<i32>} : memref<64x256xf32, #tpu.memory_space<vmem>>, vector<1x16xf32>,
        %get3A_131 = vector.shape_cast %get3A_130 : vector<1x16xf32> to vector<16xf32>
        %ge3A_132 = arith.cmpf oge, %get3A_131, %exp3A : vector<16xf32>
        %or3A = arith.ori %ge3A_101, %ge3A_132 : vector<16xi1>
        %ge3A_133 = arith.cmpf oge, %get3A_131, %scan3A_111#1 : vector<16xf32>
        %or3A_134 = arith.ori %or3A, %ge3A_133 : vector<16xi1>
        %jit3A_135 = arith.constant 0.000000e+00 : f32
        %broadcast_in_dim3A_136 = vector.broadcast %jit3A_135 : f32 to vector<16xf32>
        %select_n3A_137 = arith.select %or3A_134, %get3A_131, %broadcast_in_dim3A_136 : vector<16xi1>, vector<16xf32>
        %mul3A_138 = arith.mulf %select_n3A_137, %mul3A_115 : vector<16xf32>
        %swap3A_139 = arith.index_cast %add3A_127 : i32 to index
        %swap3A_140 = arith.constant 0 : index
        %swap3A_141 = tpu.vector_load %arg8[%swap3A_139, %swap3A_140] {strides = array<i32>} : memref<132x16xf32, #tpu.memory_space<vmem>>, vector<1x16xf32>,
        %swap3A_142 = vector.shape_cast %swap3A_141 : vector<1x16xf32> to vector<16xf32>
        %swap3A_143 = vector.shape_cast %mul3A_138 : vector<16xf32> to vector<1x16xf32>
        tpu.vector_store %arg8[%swap3A_139, %swap3A_140], %swap3A_143 {add = true, strides = array<i32>} : memref<132x16xf32, #tpu.memory_space<vmem>>, vector<1x16xf32>,
        %add3A_144 = arith.constant 64 : i32
        %add3A_145 = arith.addi %add3A_144, %add3A_127 : i32
        %mul3A_146 = arith.mulf %get3A_131, %mul3A_115 : vector<16xf32>
        %swap3A_147 = arith.index_cast %add3A_145 : i32 to index
        %swap3A_148 = arith.constant 0 : index
        %swap3A_149 = tpu.vector_load %arg8[%swap3A_147, %swap3A_148] {strides = array<i32>} : memref<132x16xf32, #tpu.memory_space<vmem>>, vector<1x16xf32>,
        %swap3A_150 = vector.shape_cast %swap3A_149 : vector<1x16xf32> to vector<16xf32>
        %swap3A_151 = vector.shape_cast %mul3A_146 : vector<16xf32> to vector<1x16xf32>
        tpu.vector_store %arg8[%swap3A_147, %swap3A_148], %swap3A_151 {add = true, strides = array<i32>} : memref<132x16xf32, #tpu.memory_space<vmem>>, vector<1x16xf32>,
        %mul3A_152 = arith.constant 8 : i32
        %mul3A_153 = arith.muli %scan3A_123, %mul3A_152 : i32
        %add3A_154 = arith.constant 1 : i32
        %add3A_155 = arith.addi %mul3A_153, %add3A_154 : i32
        %get3A_156 = arith.index_cast %add3A_155 : i32 to index
        %get3A_157 = arith.index_cast %mul3A_42 : i32 to index
        %get3A_158 = tpu.vector_load %arg7[%get3A_156, %get3A_157] {strides = array<i32>} : memref<64x256xf32, #tpu.memory_space<vmem>>, vector<1x16xf32>,
        %get3A_159 = vector.shape_cast %get3A_158 : vector<1x16xf32> to vector<16xf32>
        %ge3A_160 = arith.cmpf oge, %get3A_159, %exp3A : vector<16xf32>
        %or3A_161 = arith.ori %ge3A_101, %ge3A_160 : vector<16xi1>
        %ge3A_162 = arith.cmpf oge, %get3A_159, %scan3A_111#1 : vector<16xf32>
        %or3A_163 = arith.ori %or3A_161, %ge3A_162 : vector<16xi1>
        %jit3A_164 = arith.constant 0.000000e+00 : f32
        %broadcast_in_dim3A_165 = vector.broadcast %jit3A_164 : f32 to vector<16xf32>
        %select_n3A_166 = arith.select %or3A_163, %get3A_159, %broadcast_in_dim3A_165 : vector<16xi1>, vector<16xf32>
        %mul3A_167 = arith.mulf %select_n3A_166, %mul3A_115 : vector<16xf32>
        %swap3A_168 = arith.index_cast %add3A_155 : i32 to index
        %swap3A_169 = arith.constant 0 : index
        %swap3A_170 = tpu.vector_load %arg8[%swap3A_168, %swap3A_169] {strides = array<i32>} : memref<132x16xf32, #tpu.memory_space<vmem>>, vector<1x16xf32>,
        %swap3A_171 = vector.shape_cast %swap3A_170 : vector<1x16xf32> to vector<16xf32>
        %swap3A_172 = vector.shape_cast %mul3A_167 : vector<16xf32> to vector<1x16xf32>
        tpu.vector_store %arg8[%swap3A_168, %swap3A_169], %swap3A_172 {add = true, strides = array<i32>} : memref<132x16xf32, #tpu.memory_space<vmem>>, vector<1x16xf32>,
        %add3A_173 = arith.constant 64 : i32
        %add3A_174 = arith.addi %add3A_173, %add3A_155 : i32
        %mul3A_175 = arith.mulf %get3A_159, %mul3A_115 : vector<16xf32>
        %swap3A_176 = arith.index_cast %add3A_174 : i32 to index
        %swap3A_177 = arith.constant 0 : index
        %swap3A_178 = tpu.vector_load %arg8[%swap3A_176, %swap3A_177] {strides = array<i32>} : memref<132x16xf32, #tpu.memory_space<vmem>>, vector<1x16xf32>,
        %swap3A_179 = vector.shape_cast %swap3A_178 : vector<1x16xf32> to vector<16xf32>
        %swap3A_180 = vector.shape_cast %mul3A_175 : vector<16xf32> to vector<1x16xf32>
        tpu.vector_store %arg8[%swap3A_176, %swap3A_177], %swap3A_180 {add = true, strides = array<i32>} : memref<132x16xf32, #tpu.memory_space<vmem>>, vector<1x16xf32>,
        %mul3A_181 = arith.constant 8 : i32
        %mul3A_182 = arith.muli %scan3A_123, %mul3A_181 : i32
        %add3A_183 = arith.constant 2 : i32
        %add3A_184 = arith.addi %mul3A_182, %add3A_183 : i32
        %get3A_185 = arith.index_cast %add3A_184 : i32 to index
        %get3A_186 = arith.index_cast %mul3A_42 : i32 to index
        %get3A_187 = tpu.vector_load %arg7[%get3A_185, %get3A_186] {strides = array<i32>} : memref<64x256xf32, #tpu.memory_space<vmem>>, vector<1x16xf32>,
        %get3A_188 = vector.shape_cast %get3A_187 : vector<1x16xf32> to vector<16xf32>
        %ge3A_189 = arith.cmpf oge, %get3A_188, %exp3A : vector<16xf32>
        %or3A_190 = arith.ori %ge3A_101, %ge3A_189 : vector<16xi1>
        %ge3A_191 = arith.cmpf oge, %get3A_188, %scan3A_111#1 : vector<16xf32>
        %or3A_192 = arith.ori %or3A_190, %ge3A_191 : vector<16xi1>
        %jit3A_193 = arith.constant 0.000000e+00 : f32
        %broadcast_in_dim3A_194 = vector.broadcast %jit3A_193 : f32 to vector<16xf32>
        %select_n3A_195 = arith.select %or3A_192, %get3A_188, %broadcast_in_dim3A_194 : vector<16xi1>, vector<16xf32>
        %mul3A_196 = arith.mulf %select_n3A_195, %mul3A_115 : vector<16xf32>
        %swap3A_197 = arith.index_cast %add3A_184 : i32 to index
        %swap3A_198 = arith.constant 0 : index
        %swap3A_199 = tpu.vector_load %arg8[%swap3A_197, %swap3A_198] {strides = array<i32>} : memref<132x16xf32, #tpu.memory_space<vmem>>, vector<1x16xf32>,
        %swap3A_200 = vector.shape_cast %swap3A_199 : vector<1x16xf32> to vector<16xf32>
        %swap3A_201 = vector.shape_cast %mul3A_196 : vector<16xf32> to vector<1x16xf32>
        tpu.vector_store %arg8[%swap3A_197, %swap3A_198], %swap3A_201 {add = true, strides = array<i32>} : memref<132x16xf32, #tpu.memory_space<vmem>>, vector<1x16xf32>,
        %add3A_202 = arith.constant 64 : i32
        %add3A_203 = arith.addi %add3A_202, %add3A_184 : i32
        %mul3A_204 = arith.mulf %get3A_188, %mul3A_115 : vector<16xf32>
        %swap3A_205 = arith.index_cast %add3A_203 : i32 to index
        %swap3A_206 = arith.constant 0 : index
        %swap3A_207 = tpu.vector_load %arg8[%swap3A_205, %swap3A_206] {strides = array<i32>} : memref<132x16xf32, #tpu.memory_space<vmem>>, vector<1x16xf32>,
        %swap3A_208 = vector.shape_cast %swap3A_207 : vector<1x16xf32> to vector<16xf32>
        %swap3A_209 = vector.shape_cast %mul3A_204 : vector<16xf32> to vector<1x16xf32>
        tpu.vector_store %arg8[%swap3A_205, %swap3A_206], %swap3A_209 {add = true, strides = array<i32>} : memref<132x16xf32, #tpu.memory_space<vmem>>, vector<1x16xf32>,
        %mul3A_210 = arith.constant 8 : i32
        %mul3A_211 = arith.muli %scan3A_123, %mul3A_210 : i32
        %add3A_212 = arith.constant 3 : i32
        %add3A_213 = arith.addi %mul3A_211, %add3A_212 : i32
        %get3A_214 = arith.index_cast %add3A_213 : i32 to index
        %get3A_215 = arith.index_cast %mul3A_42 : i32 to index
        %get3A_216 = tpu.vector_load %arg7[%get3A_214, %get3A_215] {strides = array<i32>} : memref<64x256xf32, #tpu.memory_space<vmem>>, vector<1x16xf32>,
        %get3A_217 = vector.shape_cast %get3A_216 : vector<1x16xf32> to vector<16xf32>
        %ge3A_218 = arith.cmpf oge, %get3A_217, %exp3A : vector<16xf32>
        %or3A_219 = arith.ori %ge3A_101, %ge3A_218 : vector<16xi1>
        %ge3A_220 = arith.cmpf oge, %get3A_217, %scan3A_111#1 : vector<16xf32>
        %or3A_221 = arith.ori %or3A_219, %ge3A_220 : vector<16xi1>
        %jit3A_222 = arith.constant 0.000000e+00 : f32
        %broadcast_in_dim3A_223 = vector.broadcast %jit3A_222 : f32 to vector<16xf32>
        %select_n3A_224 = arith.select %or3A_221, %get3A_217, %broadcast_in_dim3A_223 : vector<16xi1>, vector<16xf32>
        %mul3A_225 = arith.mulf %select_n3A_224, %mul3A_115 : vector<16xf32>
        %swap3A_226 = arith.index_cast %add3A_213 : i32 to index
        %swap3A_227 = arith.constant 0 : index
        %swap3A_228 = tpu.vector_load %arg8[%swap3A_226, %swap3A_227] {strides = array<i32>} : memref<132x16xf32, #tpu.memory_space<vmem>>, vector<1x16xf32>,
        %swap3A_229 = vector.shape_cast %swap3A_228 : vector<1x16xf32> to vector<16xf32>
        %swap3A_230 = vector.shape_cast %mul3A_225 : vector<16xf32> to vector<1x16xf32>
        tpu.vector_store %arg8[%swap3A_226, %swap3A_227], %swap3A_230 {add = true, strides = array<i32>} : memref<132x16xf32, #tpu.memory_space<vmem>>, vector<1x16xf32>,
        %add3A_231 = arith.constant 64 : i32
        %add3A_232 = arith.addi %add3A_231, %add3A_213 : i32
        %mul3A_233 = arith.mulf %get3A_217, %mul3A_115 : vector<16xf32>
        %swap3A_234 = arith.index_cast %add3A_232 : i32 to index
        %swap3A_235 = arith.constant 0 : index
        %swap3A_236 = tpu.vector_load %arg8[%swap3A_234, %swap3A_235] {strides = array<i32>} : memref<132x16xf32, #tpu.memory_space<vmem>>, vector<1x16xf32>,
        %swap3A_237 = vector.shape_cast %swap3A_236 : vector<1x16xf32> to vector<16xf32>
        %swap3A_238 = vector.shape_cast %mul3A_233 : vector<16xf32> to vector<1x16xf32>
        tpu.vector_store %arg8[%swap3A_234, %swap3A_235], %swap3A_238 {add = true, strides = array<i32>} : memref<132x16xf32, #tpu.memory_space<vmem>>, vector<1x16xf32>,
        %mul3A_239 = arith.constant 8 : i32
        %mul3A_240 = arith.muli %scan3A_123, %mul3A_239 : i32
        %add3A_241 = arith.constant 4 : i32
        %add3A_242 = arith.addi %mul3A_240, %add3A_241 : i32
        %get3A_243 = arith.index_cast %add3A_242 : i32 to index
        %get3A_244 = arith.index_cast %mul3A_42 : i32 to index
        %get3A_245 = tpu.vector_load %arg7[%get3A_243, %get3A_244] {strides = array<i32>} : memref<64x256xf32, #tpu.memory_space<vmem>>, vector<1x16xf32>,
        %get3A_246 = vector.shape_cast %get3A_245 : vector<1x16xf32> to vector<16xf32>
        %ge3A_247 = arith.cmpf oge, %get3A_246, %exp3A : vector<16xf32>
        %or3A_248 = arith.ori %ge3A_101, %ge3A_247 : vector<16xi1>
        %ge3A_249 = arith.cmpf oge, %get3A_246, %scan3A_111#1 : vector<16xf32>
        %or3A_250 = arith.ori %or3A_248, %ge3A_249 : vector<16xi1>
        %jit3A_251 = arith.constant 0.000000e+00 : f32
        %broadcast_in_dim3A_252 = vector.broadcast %jit3A_251 : f32 to vector<16xf32>
        %select_n3A_253 = arith.select %or3A_250, %get3A_246, %broadcast_in_dim3A_252 : vector<16xi1>, vector<16xf32>
        %mul3A_254 = arith.mulf %select_n3A_253, %mul3A_115 : vector<16xf32>
        %swap3A_255 = arith.index_cast %add3A_242 : i32 to index
        %swap3A_256 = arith.constant 0 : index
        %swap3A_257 = tpu.vector_load %arg8[%swap3A_255, %swap3A_256] {strides = array<i32>} : memref<132x16xf32, #tpu.memory_space<vmem>>, vector<1x16xf32>,
        %swap3A_258 = vector.shape_cast %swap3A_257 : vector<1x16xf32> to vector<16xf32>
        %swap3A_259 = vector.shape_cast %mul3A_254 : vector<16xf32> to vector<1x16xf32>
        tpu.vector_store %arg8[%swap3A_255, %swap3A_256], %swap3A_259 {add = true, strides = array<i32>} : memref<132x16xf32, #tpu.memory_space<vmem>>, vector<1x16xf32>,
        %add3A_260 = arith.constant 64 : i32
        %add3A_261 = arith.addi %add3A_260, %add3A_242 : i32
        %mul3A_262 = arith.mulf %get3A_246, %mul3A_115 : vector<16xf32>
        %swap3A_263 = arith.index_cast %add3A_261 : i32 to index
        %swap3A_264 = arith.constant 0 : index
        %swap3A_265 = tpu.vector_load %arg8[%swap3A_263, %swap3A_264] {strides = array<i32>} : memref<132x16xf32, #tpu.memory_space<vmem>>, vector<1x16xf32>,
        %swap3A_266 = vector.shape_cast %swap3A_265 : vector<1x16xf32> to vector<16xf32>
        %swap3A_267 = vector.shape_cast %mul3A_262 : vector<16xf32> to vector<1x16xf32>
        tpu.vector_store %arg8[%swap3A_263, %swap3A_264], %swap3A_267 {add = true, strides = array<i32>} : memref<132x16xf32, #tpu.memory_space<vmem>>, vector<1x16xf32>,
        %mul3A_268 = arith.constant 8 : i32
        %mul3A_269 = arith.muli %scan3A_123, %mul3A_268 : i32
        %add3A_270 = arith.constant 5 : i32
        %add3A_271 = arith.addi %mul3A_269, %add3A_270 : i32
        %get3A_272 = arith.index_cast %add3A_271 : i32 to index
        %get3A_273 = arith.index_cast %mul3A_42 : i32 to index
        %get3A_274 = tpu.vector_load %arg7[%get3A_272, %get3A_273] {strides = array<i32>} : memref<64x256xf32, #tpu.memory_space<vmem>>, vector<1x16xf32>,
        %get3A_275 = vector.shape_cast %get3A_274 : vector<1x16xf32> to vector<16xf32>
        %ge3A_276 = arith.cmpf oge, %get3A_275, %exp3A : vector<16xf32>
        %or3A_277 = arith.ori %ge3A_101, %ge3A_276 : vector<16xi1>
        %ge3A_278 = arith.cmpf oge, %get3A_275, %scan3A_111#1 : vector<16xf32>
        %or3A_279 = arith.ori %or3A_277, %ge3A_278 : vector<16xi1>
        %jit3A_280 = arith.constant 0.000000e+00 : f32
        %broadcast_in_dim3A_281 = vector.broadcast %jit3A_280 : f32 to vector<16xf32>
        %select_n3A_282 = arith.select %or3A_279, %get3A_275, %broadcast_in_dim3A_281 : vector<16xi1>, vector<16xf32>
        %mul3A_283 = arith.mulf %select_n3A_282, %mul3A_115 : vector<16xf32>
        %swap3A_284 = arith.index_cast %add3A_271 : i32 to index
        %swap3A_285 = arith.constant 0 : index
        %swap3A_286 = tpu.vector_load %arg8[%swap3A_284, %swap3A_285] {strides = array<i32>} : memref<132x16xf32, #tpu.memory_space<vmem>>, vector<1x16xf32>,
        %swap3A_287 = vector.shape_cast %swap3A_286 : vector<1x16xf32> to vector<16xf32>
        %swap3A_288 = vector.shape_cast %mul3A_283 : vector<16xf32> to vector<1x16xf32>
        tpu.vector_store %arg8[%swap3A_284, %swap3A_285], %swap3A_288 {add = true, strides = array<i32>} : memref<132x16xf32, #tpu.memory_space<vmem>>, vector<1x16xf32>,
        %add3A_289 = arith.constant 64 : i32
        %add3A_290 = arith.addi %add3A_289, %add3A_271 : i32
        %mul3A_291 = arith.mulf %get3A_275, %mul3A_115 : vector<16xf32>
        %swap3A_292 = arith.index_cast %add3A_290 : i32 to index
        %swap3A_293 = arith.constant 0 : index
        %swap3A_294 = tpu.vector_load %arg8[%swap3A_292, %swap3A_293] {strides = array<i32>} : memref<132x16xf32, #tpu.memory_space<vmem>>, vector<1x16xf32>,
        %swap3A_295 = vector.shape_cast %swap3A_294 : vector<1x16xf32> to vector<16xf32>
        %swap3A_296 = vector.shape_cast %mul3A_291 : vector<16xf32> to vector<1x16xf32>
        tpu.vector_store %arg8[%swap3A_292, %swap3A_293], %swap3A_296 {add = true, strides = array<i32>} : memref<132x16xf32, #tpu.memory_space<vmem>>, vector<1x16xf32>,
        %mul3A_297 = arith.constant 8 : i32
        %mul3A_298 = arith.muli %scan3A_123, %mul3A_297 : i32
        %add3A_299 = arith.constant 6 : i32
        %add3A_300 = arith.addi %mul3A_298, %add3A_299 : i32
        %get3A_301 = arith.index_cast %add3A_300 : i32 to index
        %get3A_302 = arith.index_cast %mul3A_42 : i32 to index
        %get3A_303 = tpu.vector_load %arg7[%get3A_301, %get3A_302] {strides = array<i32>} : memref<64x256xf32, #tpu.memory_space<vmem>>, vector<1x16xf32>,
        %get3A_304 = vector.shape_cast %get3A_303 : vector<1x16xf32> to vector<16xf32>
        %ge3A_305 = arith.cmpf oge, %get3A_304, %exp3A : vector<16xf32>
        %or3A_306 = arith.ori %ge3A_101, %ge3A_305 : vector<16xi1>
        %ge3A_307 = arith.cmpf oge, %get3A_304, %scan3A_111#1 : vector<16xf32>
        %or3A_308 = arith.ori %or3A_306, %ge3A_307 : vector<16xi1>
        %jit3A_309 = arith.constant 0.000000e+00 : f32
        %broadcast_in_dim3A_310 = vector.broadcast %jit3A_309 : f32 to vector<16xf32>
        %select_n3A_311 = arith.select %or3A_308, %get3A_304, %broadcast_in_dim3A_310 : vector<16xi1>, vector<16xf32>
        %mul3A_312 = arith.mulf %select_n3A_311, %mul3A_115 : vector<16xf32>
        %swap3A_313 = arith.index_cast %add3A_300 : i32 to index
        %swap3A_314 = arith.constant 0 : index
        %swap3A_315 = tpu.vector_load %arg8[%swap3A_313, %swap3A_314] {strides = array<i32>} : memref<132x16xf32, #tpu.memory_space<vmem>>, vector<1x16xf32>,
        %swap3A_316 = vector.shape_cast %swap3A_315 : vector<1x16xf32> to vector<16xf32>
        %swap3A_317 = vector.shape_cast %mul3A_312 : vector<16xf32> to vector<1x16xf32>
        tpu.vector_store %arg8[%swap3A_313, %swap3A_314], %swap3A_317 {add = true, strides = array<i32>} : memref<132x16xf32, #tpu.memory_space<vmem>>, vector<1x16xf32>,
        %add3A_318 = arith.constant 64 : i32
        %add3A_319 = arith.addi %add3A_318, %add3A_300 : i32
        %mul3A_320 = arith.mulf %get3A_304, %mul3A_115 : vector<16xf32>
        %swap3A_321 = arith.index_cast %add3A_319 : i32 to index
        %swap3A_322 = arith.constant 0 : index
        %swap3A_323 = tpu.vector_load %arg8[%swap3A_321, %swap3A_322] {strides = array<i32>} : memref<132x16xf32, #tpu.memory_space<vmem>>, vector<1x16xf32>,
        %swap3A_324 = vector.shape_cast %swap3A_323 : vector<1x16xf32> to vector<16xf32>
        %swap3A_325 = vector.shape_cast %mul3A_320 : vector<16xf32> to vector<1x16xf32>
        tpu.vector_store %arg8[%swap3A_321, %swap3A_322], %swap3A_325 {add = true, strides = array<i32>} : memref<132x16xf32, #tpu.memory_space<vmem>>, vector<1x16xf32>,
        %mul3A_326 = arith.constant 8 : i32
        %mul3A_327 = arith.muli %scan3A_123, %mul3A_326 : i32
        %add3A_328 = arith.constant 7 : i32
        %add3A_329 = arith.addi %mul3A_327, %add3A_328 : i32
        %get3A_330 = arith.index_cast %add3A_329 : i32 to index
        %get3A_331 = arith.index_cast %mul3A_42 : i32 to index
        %get3A_332 = tpu.vector_load %arg7[%get3A_330, %get3A_331] {strides = array<i32>} : memref<64x256xf32, #tpu.memory_space<vmem>>, vector<1x16xf32>,
        %get3A_333 = vector.shape_cast %get3A_332 : vector<1x16xf32> to vector<16xf32>
        %ge3A_334 = arith.cmpf oge, %get3A_333, %exp3A : vector<16xf32>
        %or3A_335 = arith.ori %ge3A_101, %ge3A_334 : vector<16xi1>
        %ge3A_336 = arith.cmpf oge, %get3A_333, %scan3A_111#1 : vector<16xf32>
        %or3A_337 = arith.ori %or3A_335, %ge3A_336 : vector<16xi1>
        %jit3A_338 = arith.constant 0.000000e+00 : f32
        %broadcast_in_dim3A_339 = vector.broadcast %jit3A_338 : f32 to vector<16xf32>
        %select_n3A_340 = arith.select %or3A_337, %get3A_333, %broadcast_in_dim3A_339 : vector<16xi1>, vector<16xf32>
        %mul3A_341 = arith.mulf %select_n3A_340, %mul3A_115 : vector<16xf32>
        %swap3A_342 = arith.index_cast %add3A_329 : i32 to index
        %swap3A_343 = arith.constant 0 : index
        %swap3A_344 = tpu.vector_load %arg8[%swap3A_342, %swap3A_343] {strides = array<i32>} : memref<132x16xf32, #tpu.memory_space<vmem>>, vector<1x16xf32>,
        %swap3A_345 = vector.shape_cast %swap3A_344 : vector<1x16xf32> to vector<16xf32>
        %swap3A_346 = vector.shape_cast %mul3A_341 : vector<16xf32> to vector<1x16xf32>
        tpu.vector_store %arg8[%swap3A_342, %swap3A_343], %swap3A_346 {add = true, strides = array<i32>} : memref<132x16xf32, #tpu.memory_space<vmem>>, vector<1x16xf32>,
        %add3A_347 = arith.constant 64 : i32
        %add3A_348 = arith.addi %add3A_347, %add3A_329 : i32
        %mul3A_349 = arith.mulf %get3A_333, %mul3A_115 : vector<16xf32>
        %swap3A_350 = arith.index_cast %add3A_348 : i32 to index
        %swap3A_351 = arith.constant 0 : index
        %swap3A_352 = tpu.vector_load %arg8[%swap3A_350, %swap3A_351] {strides = array<i32>} : memref<132x16xf32, #tpu.memory_space<vmem>>, vector<1x16xf32>,
        %swap3A_353 = vector.shape_cast %swap3A_352 : vector<1x16xf32> to vector<16xf32>
        %swap3A_354 = vector.shape_cast %mul3A_349 : vector<16xf32> to vector<1x16xf32>
        tpu.vector_store %arg8[%swap3A_350, %swap3A_351], %swap3A_354 {add = true, strides = array<i32>} : memref<132x16xf32, #tpu.memory_space<vmem>>, vector<1x16xf32>,
      }
      %scan3A_121 = arith.constant 8 : i32
      %add3A_122 = arith.addf %scan3A_40, %get3A_114 : vector<16xf32>
      scf.yield %scan3A_90#0, %add3A_92, %add3A_122 : vector<16xf32>, vector<16xf32>, vector<16xf32>
    }
    %scan3A_13 = arith.constant 16 : i32
    %swap3A = arith.constant 128 : i32
    %swap3A_14 = arith.index_cast %swap3A : i32 to index
    %swap3A_15 = arith.constant 0 : index
    %swap3A_16 = tpu.vector_load %arg8[%swap3A_14, %swap3A_15] {strides = array<i32>} : memref<132x16xf32, #tpu.memory_space<vmem>>, vector<1x16xf32>,
    %swap3A_17 = vector.shape_cast %swap3A_16 : vector<1x16xf32> to vector<16xf32>
    %swap3A_18 = vector.shape_cast %scan3A_12#0 : vector<16xf32> to vector<1x16xf32>
    tpu.vector_store %arg8[%swap3A_14, %swap3A_15], %swap3A_18 {strides = array<i32>} : memref<132x16xf32, #tpu.memory_space<vmem>>, vector<1x16xf32>,
    %swap3A_19 = arith.constant 129 : i32
    %swap3A_20 = arith.index_cast %swap3A_19 : i32 to index
    %swap3A_21 = arith.constant 0 : index
    %swap3A_22 = tpu.vector_load %arg8[%swap3A_20, %swap3A_21] {strides = array<i32>} : memref<132x16xf32, #tpu.memory_space<vmem>>, vector<1x16xf32>,
    %swap3A_23 = vector.shape_cast %swap3A_22 : vector<1x16xf32> to vector<16xf32>
    %swap3A_24 = vector.shape_cast %scan3A_12#1 : vector<16xf32> to vector<1x16xf32>
    tpu.vector_store %arg8[%swap3A_20, %swap3A_21], %swap3A_24 {strides = array<i32>} : memref<132x16xf32, #tpu.memory_space<vmem>>, vector<1x16xf32>,
    %swap3A_25 = arith.constant 130 : i32
    %swap3A_26 = arith.index_cast %swap3A_25 : i32 to index
    %swap3A_27 = arith.constant 0 : index
    %swap3A_28 = tpu.vector_load %arg8[%swap3A_26, %swap3A_27] {strides = array<i32>} : memref<132x16xf32, #tpu.memory_space<vmem>>, vector<1x16xf32>,
    %swap3A_29 = vector.shape_cast %swap3A_28 : vector<1x16xf32> to vector<16xf32>
    %swap3A_30 = vector.shape_cast %scan3A_12#2 : vector<16xf32> to vector<1x16xf32>
    tpu.vector_store %arg8[%swap3A_26, %swap3A_27], %swap3A_30 {strides = array<i32>} : memref<132x16xf32, #tpu.memory_space<vmem>>, vector<1x16xf32>,
    %swap3A_31 = arith.constant 131 : i32
    %swap3A_32 = arith.index_cast %swap3A_31 : i32 to index
    %swap3A_33 = arith.constant 0 : index
    %swap3A_34 = tpu.vector_load %arg8[%swap3A_32, %swap3A_33] {strides = array<i32>} : memref<132x16xf32, #tpu.memory_space<vmem>>, vector<1x16xf32>,
    %swap3A_35 = vector.shape_cast %swap3A_34 : vector<1x16xf32> to vector<16xf32>
    %swap3A_36 = vector.shape_cast %broadcast_in_dim3A_1 : vector<16xf32> to vector<1x16xf32>
    tpu.vector_store %arg8[%swap3A_32, %swap3A_33], %swap3A_36 {strides = array<i32>} : memref<132x16xf32, #tpu.memory_space<vmem>>, vector<1x16xf32>,
    "tpu.region"() ({
      %run_scoped3A_37 = tpu.sem_alloc : memref<!tpu.dma_semaphore, #tpu.memory_space<semaphore_mem>>
      %dma_start3A = arith.constant 0 : i32
      %dma_start3A_38 = arith.constant 0 : i32
      %dma_start3A_39 = tpu.memref_slice %arg4[%add3A, %dma_start3A, %dma_start3A_38] : memref<32x132x16xf32, #tpu.memory_space<hbm>> -> memref<1x132x16xf32, #tpu.memory_space<hbm>>
      %dma_start3A_40 = tpu.memref_squeeze %dma_start3A_39 : memref<1x132x16xf32, #tpu.memory_space<hbm>> -> memref<132x16xf32, #tpu.memory_space<hbm>>
      %dma_start3A_41 = arith.constant 0 : i32
      %dma_start3A_42 = arith.constant 0 : i32
      %dma_start3A_43 = tpu.memref_slice %arg4[%add3A, %dma_start3A_41, %dma_start3A_42] : memref<32x132x16xf32, #tpu.memory_space<hbm>> -> memref<1x132x16xf32, #tpu.memory_space<hbm>>
      %dma_start3A_44 = tpu.memref_squeeze %dma_start3A_43 : memref<1x132x16xf32, #tpu.memory_space<hbm>> -> memref<132x16xf32, #tpu.memory_space<hbm>>
      tpu.enqueue_dma source(%arg8 : memref<132x16xf32, #tpu.memory_space<vmem>>) target(%dma_start3A_44 : memref<132x16xf32, #tpu.memory_space<hbm>>) target_semaphore(%run_scoped3A_37 : memref<!tpu.dma_semaphore, #tpu.memory_space<semaphore_mem>>)
      %dma_wait3A = arith.constant 0 : i32
      %dma_wait3A_45 = arith.constant 0 : i32
      %dma_wait3A_46 = tpu.memref_slice %arg4[%add3A, %dma_wait3A, %dma_wait3A_45] : memref<32x132x16xf32, #tpu.memory_space<hbm>> -> memref<1x132x16xf32, #tpu.memory_space<hbm>>
      %dma_wait3A_47 = tpu.memref_squeeze %dma_wait3A_46 : memref<1x132x16xf32, #tpu.memory_space<hbm>> -> memref<132x16xf32, #tpu.memory_space<hbm>>
      %dma_wait3A_48 = arith.constant 0 : i32
      %dma_wait3A_49 = arith.constant 0 : i32
      %dma_wait3A_50 = tpu.memref_slice %arg4[%add3A, %dma_wait3A_48, %dma_wait3A_49] : memref<32x132x16xf32, #tpu.memory_space<hbm>> -> memref<1x132x16xf32, #tpu.memory_space<hbm>>
      %dma_wait3A_51 = tpu.memref_squeeze %dma_wait3A_50 : memref<1x132x16xf32, #tpu.memory_space<hbm>> -> memref<132x16xf32, #tpu.memory_space<hbm>>
      tpu.wait_dma2 semaphore(%run_scoped3A_37 : memref<!tpu.dma_semaphore, #tpu.memory_space<semaphore_mem>>) src(%arg8 : memref<132x16xf32, #tpu.memory_space<vmem>>) dst(%dma_wait3A_51 : memref<132x16xf32, #tpu.memory_space<hbm>>)
      tpu.yield
    }) : () -> ()
    return
  }
}

module attributes {stable_mosaic.version = 14 : i64} {
  func.func @_tc_body(%arg0: i32, %arg1: memref<64x2048xf32, #tpu.memory_space<vmem>>, %arg2: memref<1x2048xf32, #tpu.memory_space<vmem>>, %arg3: memref<132x1xf32, #tpu.memory_space<vmem>>, %arg4: memref<64x1xf32, #tpu.memory_space<vmem>>, %arg5: memref<64x1xf32, #tpu.memory_space<vmem>>, %arg6: memref<3x1xf32, #tpu.memory_space<vmem>>) attributes {dimension_semantics = [#tpu.dimension_semantics<arbitrary>], iteration_bounds = array<i64: 28>, scalar_prefetch = 0 : i64, scratch_operands = 3 : i64, tpu.core_type = #tpu.core_type<tc>, window_params = [{transform_indices = @transform_0, window_bounds = array<i64: 64, 2048>}, {transform_indices = @transform_1, window_bounds = array<i64: 1, 2048>}, {pipeline_mode = #tpu.pipeline_mode<synchronous>, transform_indices = @transform_2, window_bounds = array<i64: 132, 1>}]} {
    %eq3A = arith.constant 0 : i32
    %eq3A_0 = arith.cmpi eq, %arg0, %eq3A : i32
    %convert_element_type3A = arith.extui %eq3A_0 : i1 to i32
    %cond3A = arith.constant 0 : i32
    %cond3A_1 = arith.cmpi ne, %convert_element_type3A, %cond3A : i32
    scf.if %cond3A_1 {
      %broadcast_in_dim3A_290 = arith.constant 0.000000e+00 : f32
      %broadcast_in_dim3A_291 = vector.broadcast %broadcast_in_dim3A_290 : f32 to vector<64x1xf32>
      %swap3A_292 = arith.constant 0 : index
      %swap3A_293 = arith.constant 0 : index
      %swap3A_294 = vector.load %arg4[%swap3A_292, %swap3A_293] : memref<64x1xf32, #tpu.memory_space<vmem>>, vector<64x1xf32>
      tpu.vector_store %arg4[%swap3A_292, %swap3A_293], %broadcast_in_dim3A_291 {strides = array<i32>} : memref<64x1xf32, #tpu.memory_space<vmem>>, vector<64x1xf32>,
      %broadcast_in_dim3A_295 = arith.constant 0.000000e+00 : f32
      %broadcast_in_dim3A_296 = vector.broadcast %broadcast_in_dim3A_295 : f32 to vector<64x1xf32>
      %swap3A_297 = arith.constant 0 : index
      %swap3A_298 = arith.constant 0 : index
      %swap3A_299 = vector.load %arg5[%swap3A_297, %swap3A_298] : memref<64x1xf32, #tpu.memory_space<vmem>>, vector<64x1xf32>
      tpu.vector_store %arg5[%swap3A_297, %swap3A_298], %broadcast_in_dim3A_296 {strides = array<i32>} : memref<64x1xf32, #tpu.memory_space<vmem>>, vector<64x1xf32>,
      %broadcast_in_dim3A_300 = arith.constant 0.000000e+00 : f32
      %broadcast_in_dim3A_301 = vector.broadcast %broadcast_in_dim3A_300 : f32 to vector<3x1xf32>
      %swap3A_302 = arith.constant 0 : index
      %swap3A_303 = arith.constant 0 : index
      %swap3A_304 = vector.load %arg6[%swap3A_302, %swap3A_303] : memref<3x1xf32, #tpu.memory_space<vmem>>, vector<3x1xf32>
      tpu.vector_store %arg6[%swap3A_302, %swap3A_303], %broadcast_in_dim3A_301 {strides = array<i32>} : memref<3x1xf32, #tpu.memory_space<vmem>>, vector<3x1xf32>,
    } else {
    }
    %get3A = arith.constant 0 : index
    %get3A_2 = arith.constant 0 : index
    %get3A_3 = vector.load %arg1[%get3A, %get3A_2] : memref<64x2048xf32, #tpu.memory_space<vmem>>, vector<64x2048xf32>
    %get3A_4 = arith.constant 0 : index
    %get3A_5 = arith.constant 0 : index
    %get3A_6 = vector.load %arg2[%get3A_4, %get3A_5] : memref<1x2048xf32, #tpu.memory_space<vmem>>, vector<1x2048xf32>
    %reduce_max3A = arith.constant dense<0xFF800000> : vector<2048xf32>
    %reduce_max3A_7 = vector.multi_reduction <maximumf>, %get3A_3, %reduce_max3A [0] : vector<64x2048xf32> to vector<2048xf32>
    %broadcast_in_dim3A = vector.shape_cast %reduce_max3A_7 : vector<2048xf32> to vector<1x2048xf32>
    %sub3A = vector.broadcast %broadcast_in_dim3A : vector<1x2048xf32> to vector<64x2048xf32>
    %sub3A_8 = arith.subf %get3A_3, %sub3A : vector<64x2048xf32>
    %exp3A = math.exp %sub3A_8 : vector<64x2048xf32>
    %reduce_sum3A = arith.constant dense<0.000000e+00> : vector<2048xf32>
    %reduce_sum3A_9 = vector.multi_reduction <add>, %exp3A, %reduce_sum3A [0] : vector<64x2048xf32> to vector<2048xf32>
    %broadcast_in_dim3A_10 = vector.shape_cast %reduce_sum3A_9 : vector<2048xf32> to vector<1x2048xf32>
    %div3A = vector.broadcast %broadcast_in_dim3A_10 : vector<1x2048xf32> to vector<64x2048xf32>
    %div3A_11 = arith.divf %exp3A, %div3A : vector<64x2048xf32>
    %max3A = arith.constant 9.99999974E-6 : f32
    %max3A_12 = vector.broadcast %max3A : f32 to vector<64x2048xf32>
    %max3A_13 = arith.maximumf %div3A_11, %max3A_12 : vector<64x2048xf32>
    %sub3A_14 = vector.broadcast %broadcast_in_dim3A : vector<1x2048xf32> to vector<64x2048xf32>
    %sub3A_15 = arith.subf %get3A_3, %sub3A_14 : vector<64x2048xf32>
    %log3A = math.log %broadcast_in_dim3A_10 : vector<1x2048xf32>
    %sub3A_16 = vector.broadcast %log3A : vector<1x2048xf32> to vector<64x2048xf32>
    %sub3A_17 = arith.subf %sub3A_15, %sub3A_16 : vector<64x2048xf32>
    %mul3A = arith.constant 1.200000e+00 : f32
    %mul3A_18 = vector.broadcast %mul3A : f32 to vector<64x2048xf32>
    %mul3A_19 = arith.mulf %mul3A_18, %sub3A_17 : vector<64x2048xf32>
    %exp3A_20 = math.exp %mul3A_19 : vector<64x2048xf32>
    %max3A_21 = arith.constant 9.99999997E-7 : f32
    %max3A_22 = vector.broadcast %max3A_21 : f32 to vector<64x2048xf32>
    %max3A_23 = arith.maximumf %exp3A_20, %max3A_22 : vector<64x2048xf32>
    %reduce_sum3A_24 = arith.constant dense<0.000000e+00> : vector<2048xf32>
    %reduce_sum3A_25 = vector.multi_reduction <add>, %max3A_23, %reduce_sum3A_24 [0] : vector<64x2048xf32> to vector<2048xf32>
    %broadcast_in_dim3A_26 = vector.shape_cast %reduce_sum3A_25 : vector<2048xf32> to vector<1x2048xf32>
    %sub3A_27 = arith.constant 1.000000e+00 : f32
    %sub3A_28 = vector.broadcast %sub3A_27 : f32 to vector<1x2048xf32>
    %sub3A_29 = arith.subf %sub3A_28, %broadcast_in_dim3A_26 : vector<1x2048xf32>
    %div3A_30 = arith.constant 2.000000e-01 : f32
    %div3A_31 = vector.broadcast %div3A_30 : f32 to vector<1x2048xf32>
    %div3A_32 = arith.divf %sub3A_29, %div3A_31 : vector<1x2048xf32>
    %ge3A = arith.constant 2.500000e+00 : f32
    %ge3A_33 = vector.broadcast %ge3A : f32 to vector<1x2048xf32>
    %ge3A_34 = arith.cmpf oge, %div3A_32, %ge3A_33 : vector<1x2048xf32>
    %reduce_max3A_35 = arith.constant dense<0xFF800000> : vector<2048xf32>
    %reduce_max3A_36 = vector.multi_reduction <maximumf>, %div3A_11, %reduce_max3A_35 [0] : vector<64x2048xf32> to vector<2048xf32>
    %broadcast_in_dim3A_37 = vector.shape_cast %reduce_max3A_36 : vector<2048xf32> to vector<1x2048xf32>
    %lt3A = vector.broadcast %broadcast_in_dim3A_37 : vector<1x2048xf32> to vector<64x2048xf32>
    %lt3A_38 = arith.cmpf olt, %div3A_11, %lt3A : vector<64x2048xf32>
    %jit3A = arith.constant -1.000000e+00 : f32
    %broadcast_in_dim3A_39 = vector.broadcast %jit3A : f32 to vector<64x2048xf32>
    %select_n3A = arith.select %lt3A_38, %div3A_11, %broadcast_in_dim3A_39 : vector<64x2048xi1>, vector<64x2048xf32>
    %reduce_max3A_40 = arith.constant dense<0xFF800000> : vector<2048xf32>
    %reduce_max3A_41 = vector.multi_reduction <maximumf>, %select_n3A, %reduce_max3A_40 [0] : vector<64x2048xf32> to vector<2048xf32>
    %broadcast_in_dim3A_42 = vector.shape_cast %reduce_max3A_41 : vector<2048xf32> to vector<1x2048xf32>
    %broadcast_in_dim3A_43 = arith.constant 0.000000e+00 : f32
    %broadcast_in_dim3A_44 = vector.broadcast %broadcast_in_dim3A_43 : f32 to vector<1x2048xf32>
    %broadcast_in_dim3A_45 = arith.constant 2.000000e+00 : f32
    %broadcast_in_dim3A_46 = vector.broadcast %broadcast_in_dim3A_45 : f32 to vector<1x2048xf32>
    %add3A = arith.addf %broadcast_in_dim3A_44, %broadcast_in_dim3A_46 : vector<1x2048xf32>
    %mul3A_47 = arith.constant 5.000000e-01 : f32
    %mul3A_48 = vector.broadcast %mul3A_47 : f32 to vector<1x2048xf32>
    %mul3A_49 = arith.mulf %mul3A_48, %add3A : vector<1x2048xf32>
    %ge3A_50 = vector.broadcast %mul3A_49 : vector<1x2048xf32> to vector<64x2048xf32>
    %ge3A_51 = arith.cmpf oge, %div3A_11, %ge3A_50 : vector<64x2048xf32>
    %jit3A_52 = arith.constant 0.000000e+00 : f32
    %broadcast_in_dim3A_53 = vector.broadcast %jit3A_52 : f32 to vector<64x2048xf32>
    %select_n3A_54 = arith.select %ge3A_51, %div3A_11, %broadcast_in_dim3A_53 : vector<64x2048xi1>, vector<64x2048xf32>
    %reduce_sum3A_55 = arith.constant dense<0.000000e+00> : vector<2048xf32>
    %reduce_sum3A_56 = vector.multi_reduction <add>, %select_n3A_54, %reduce_sum3A_55 [0] : vector<64x2048xf32> to vector<2048xf32>
    %broadcast_in_dim3A_57 = vector.shape_cast %reduce_sum3A_56 : vector<2048xf32> to vector<1x2048xf32>
    %le3A = arith.constant 7.500000e-01 : f32
    %le3A_58 = vector.broadcast %le3A : f32 to vector<1x2048xf32>
    %le3A_59 = arith.cmpf ole, %broadcast_in_dim3A_57, %le3A_58 : vector<1x2048xf32>
    %select_n3A_60 = arith.select %le3A_59, %broadcast_in_dim3A_44, %mul3A_49 : vector<1x2048xi1>, vector<1x2048xf32>
    %select_n3A_61 = arith.select %le3A_59, %mul3A_49, %broadcast_in_dim3A_46 : vector<1x2048xi1>, vector<1x2048xf32>
    %add3A_62 = arith.addf %select_n3A_60, %select_n3A_61 : vector<1x2048xf32>
    %mul3A_63 = arith.constant 5.000000e-01 : f32
    %mul3A_64 = vector.broadcast %mul3A_63 : f32 to vector<1x2048xf32>
    %mul3A_65 = arith.mulf %mul3A_64, %add3A_62 : vector<1x2048xf32>
    %ge3A_66 = vector.broadcast %mul3A_65 : vector<1x2048xf32> to vector<64x2048xf32>
    %ge3A_67 = arith.cmpf oge, %div3A_11, %ge3A_66 : vector<64x2048xf32>
    %jit3A_68 = arith.constant 0.000000e+00 : f32
    %broadcast_in_dim3A_69 = vector.broadcast %jit3A_68 : f32 to vector<64x2048xf32>
    %select_n3A_70 = arith.select %ge3A_67, %div3A_11, %broadcast_in_dim3A_69 : vector<64x2048xi1>, vector<64x2048xf32>
    %reduce_sum3A_71 = arith.constant dense<0.000000e+00> : vector<2048xf32>
    %reduce_sum3A_72 = vector.multi_reduction <add>, %select_n3A_70, %reduce_sum3A_71 [0] : vector<64x2048xf32> to vector<2048xf32>
    %broadcast_in_dim3A_73 = vector.shape_cast %reduce_sum3A_72 : vector<2048xf32> to vector<1x2048xf32>
    %le3A_74 = arith.constant 7.500000e-01 : f32
    %le3A_75 = vector.broadcast %le3A_74 : f32 to vector<1x2048xf32>
    %le3A_76 = arith.cmpf ole, %broadcast_in_dim3A_73, %le3A_75 : vector<1x2048xf32>
    %select_n3A_77 = arith.select %le3A_76, %select_n3A_60, %mul3A_65 : vector<1x2048xi1>, vector<1x2048xf32>
    %select_n3A_78 = arith.select %le3A_76, %mul3A_65, %select_n3A_61 : vector<1x2048xi1>, vector<1x2048xf32>
    %add3A_79 = arith.addf %select_n3A_77, %select_n3A_78 : vector<1x2048xf32>
    %mul3A_80 = arith.constant 5.000000e-01 : f32
    %mul3A_81 = vector.broadcast %mul3A_80 : f32 to vector<1x2048xf32>
    %mul3A_82 = arith.mulf %mul3A_81, %add3A_79 : vector<1x2048xf32>
    %ge3A_83 = vector.broadcast %mul3A_82 : vector<1x2048xf32> to vector<64x2048xf32>
    %ge3A_84 = arith.cmpf oge, %div3A_11, %ge3A_83 : vector<64x2048xf32>
    %jit3A_85 = arith.constant 0.000000e+00 : f32
    %broadcast_in_dim3A_86 = vector.broadcast %jit3A_85 : f32 to vector<64x2048xf32>
    %select_n3A_87 = arith.select %ge3A_84, %div3A_11, %broadcast_in_dim3A_86 : vector<64x2048xi1>, vector<64x2048xf32>
    %reduce_sum3A_88 = arith.constant dense<0.000000e+00> : vector<2048xf32>
    %reduce_sum3A_89 = vector.multi_reduction <add>, %select_n3A_87, %reduce_sum3A_88 [0] : vector<64x2048xf32> to vector<2048xf32>
    %broadcast_in_dim3A_90 = vector.shape_cast %reduce_sum3A_89 : vector<2048xf32> to vector<1x2048xf32>
    %le3A_91 = arith.constant 7.500000e-01 : f32
    %le3A_92 = vector.broadcast %le3A_91 : f32 to vector<1x2048xf32>
    %le3A_93 = arith.cmpf ole, %broadcast_in_dim3A_90, %le3A_92 : vector<1x2048xf32>
    %select_n3A_94 = arith.select %le3A_93, %select_n3A_77, %mul3A_82 : vector<1x2048xi1>, vector<1x2048xf32>
    %select_n3A_95 = arith.select %le3A_93, %mul3A_82, %select_n3A_78 : vector<1x2048xi1>, vector<1x2048xf32>
    %add3A_96 = arith.addf %select_n3A_94, %select_n3A_95 : vector<1x2048xf32>
    %mul3A_97 = arith.constant 5.000000e-01 : f32
    %mul3A_98 = vector.broadcast %mul3A_97 : f32 to vector<1x2048xf32>
    %mul3A_99 = arith.mulf %mul3A_98, %add3A_96 : vector<1x2048xf32>
    %ge3A_100 = vector.broadcast %mul3A_99 : vector<1x2048xf32> to vector<64x2048xf32>
    %ge3A_101 = arith.cmpf oge, %div3A_11, %ge3A_100 : vector<64x2048xf32>
    %jit3A_102 = arith.constant 0.000000e+00 : f32
    %broadcast_in_dim3A_103 = vector.broadcast %jit3A_102 : f32 to vector<64x2048xf32>
    %select_n3A_104 = arith.select %ge3A_101, %div3A_11, %broadcast_in_dim3A_103 : vector<64x2048xi1>, vector<64x2048xf32>
    %reduce_sum3A_105 = arith.constant dense<0.000000e+00> : vector<2048xf32>
    %reduce_sum3A_106 = vector.multi_reduction <add>, %select_n3A_104, %reduce_sum3A_105 [0] : vector<64x2048xf32> to vector<2048xf32>
    %broadcast_in_dim3A_107 = vector.shape_cast %reduce_sum3A_106 : vector<2048xf32> to vector<1x2048xf32>
    %le3A_108 = arith.constant 7.500000e-01 : f32
    %le3A_109 = vector.broadcast %le3A_108 : f32 to vector<1x2048xf32>
    %le3A_110 = arith.cmpf ole, %broadcast_in_dim3A_107, %le3A_109 : vector<1x2048xf32>
    %select_n3A_111 = arith.select %le3A_110, %select_n3A_94, %mul3A_99 : vector<1x2048xi1>, vector<1x2048xf32>
    %select_n3A_112 = arith.select %le3A_110, %mul3A_99, %select_n3A_95 : vector<1x2048xi1>, vector<1x2048xf32>
    %add3A_113 = arith.addf %select_n3A_111, %select_n3A_112 : vector<1x2048xf32>
    %mul3A_114 = arith.constant 5.000000e-01 : f32
    %mul3A_115 = vector.broadcast %mul3A_114 : f32 to vector<1x2048xf32>
    %mul3A_116 = arith.mulf %mul3A_115, %add3A_113 : vector<1x2048xf32>
    %ge3A_117 = vector.broadcast %mul3A_116 : vector<1x2048xf32> to vector<64x2048xf32>
    %ge3A_118 = arith.cmpf oge, %div3A_11, %ge3A_117 : vector<64x2048xf32>
    %jit3A_119 = arith.constant 0.000000e+00 : f32
    %broadcast_in_dim3A_120 = vector.broadcast %jit3A_119 : f32 to vector<64x2048xf32>
    %select_n3A_121 = arith.select %ge3A_118, %div3A_11, %broadcast_in_dim3A_120 : vector<64x2048xi1>, vector<64x2048xf32>
    %reduce_sum3A_122 = arith.constant dense<0.000000e+00> : vector<2048xf32>
    %reduce_sum3A_123 = vector.multi_reduction <add>, %select_n3A_121, %reduce_sum3A_122 [0] : vector<64x2048xf32> to vector<2048xf32>
    %broadcast_in_dim3A_124 = vector.shape_cast %reduce_sum3A_123 : vector<2048xf32> to vector<1x2048xf32>
    %le3A_125 = arith.constant 7.500000e-01 : f32
    %le3A_126 = vector.broadcast %le3A_125 : f32 to vector<1x2048xf32>
    %le3A_127 = arith.cmpf ole, %broadcast_in_dim3A_124, %le3A_126 : vector<1x2048xf32>
    %select_n3A_128 = arith.select %le3A_127, %select_n3A_111, %mul3A_116 : vector<1x2048xi1>, vector<1x2048xf32>
    %select_n3A_129 = arith.select %le3A_127, %mul3A_116, %select_n3A_112 : vector<1x2048xi1>, vector<1x2048xf32>
    %add3A_130 = arith.addf %select_n3A_128, %select_n3A_129 : vector<1x2048xf32>
    %mul3A_131 = arith.constant 5.000000e-01 : f32
    %mul3A_132 = vector.broadcast %mul3A_131 : f32 to vector<1x2048xf32>
    %mul3A_133 = arith.mulf %mul3A_132, %add3A_130 : vector<1x2048xf32>
    %ge3A_134 = vector.broadcast %mul3A_133 : vector<1x2048xf32> to vector<64x2048xf32>
    %ge3A_135 = arith.cmpf oge, %div3A_11, %ge3A_134 : vector<64x2048xf32>
    %jit3A_136 = arith.constant 0.000000e+00 : f32
    %broadcast_in_dim3A_137 = vector.broadcast %jit3A_136 : f32 to vector<64x2048xf32>
    %select_n3A_138 = arith.select %ge3A_135, %div3A_11, %broadcast_in_dim3A_137 : vector<64x2048xi1>, vector<64x2048xf32>
    %reduce_sum3A_139 = arith.constant dense<0.000000e+00> : vector<2048xf32>
    %reduce_sum3A_140 = vector.multi_reduction <add>, %select_n3A_138, %reduce_sum3A_139 [0] : vector<64x2048xf32> to vector<2048xf32>
    %broadcast_in_dim3A_141 = vector.shape_cast %reduce_sum3A_140 : vector<2048xf32> to vector<1x2048xf32>
    %le3A_142 = arith.constant 7.500000e-01 : f32
    %le3A_143 = vector.broadcast %le3A_142 : f32 to vector<1x2048xf32>
    %le3A_144 = arith.cmpf ole, %broadcast_in_dim3A_141, %le3A_143 : vector<1x2048xf32>
    %select_n3A_145 = arith.select %le3A_144, %select_n3A_128, %mul3A_133 : vector<1x2048xi1>, vector<1x2048xf32>
    %select_n3A_146 = arith.select %le3A_144, %mul3A_133, %select_n3A_129 : vector<1x2048xi1>, vector<1x2048xf32>
    %add3A_147 = arith.addf %select_n3A_145, %select_n3A_146 : vector<1x2048xf32>
    %mul3A_148 = arith.constant 5.000000e-01 : f32
    %mul3A_149 = vector.broadcast %mul3A_148 : f32 to vector<1x2048xf32>
    %mul3A_150 = arith.mulf %mul3A_149, %add3A_147 : vector<1x2048xf32>
    %ge3A_151 = vector.broadcast %mul3A_150 : vector<1x2048xf32> to vector<64x2048xf32>
    %ge3A_152 = arith.cmpf oge, %div3A_11, %ge3A_151 : vector<64x2048xf32>
    %jit3A_153 = arith.constant 0.000000e+00 : f32
    %broadcast_in_dim3A_154 = vector.broadcast %jit3A_153 : f32 to vector<64x2048xf32>
    %select_n3A_155 = arith.select %ge3A_152, %div3A_11, %broadcast_in_dim3A_154 : vector<64x2048xi1>, vector<64x2048xf32>
    %reduce_sum3A_156 = arith.constant dense<0.000000e+00> : vector<2048xf32>
    %reduce_sum3A_157 = vector.multi_reduction <add>, %select_n3A_155, %reduce_sum3A_156 [0] : vector<64x2048xf32> to vector<2048xf32>
    %broadcast_in_dim3A_158 = vector.shape_cast %reduce_sum3A_157 : vector<2048xf32> to vector<1x2048xf32>
    %le3A_159 = arith.constant 7.500000e-01 : f32
    %le3A_160 = vector.broadcast %le3A_159 : f32 to vector<1x2048xf32>
    %le3A_161 = arith.cmpf ole, %broadcast_in_dim3A_158, %le3A_160 : vector<1x2048xf32>
    %select_n3A_162 = arith.select %le3A_161, %select_n3A_145, %mul3A_150 : vector<1x2048xi1>, vector<1x2048xf32>
    %select_n3A_163 = arith.select %le3A_161, %mul3A_150, %select_n3A_146 : vector<1x2048xi1>, vector<1x2048xf32>
    %add3A_164 = arith.addf %select_n3A_162, %select_n3A_163 : vector<1x2048xf32>
    %mul3A_165 = arith.constant 5.000000e-01 : f32
    %mul3A_166 = vector.broadcast %mul3A_165 : f32 to vector<1x2048xf32>
    %mul3A_167 = arith.mulf %mul3A_166, %add3A_164 : vector<1x2048xf32>
    %ge3A_168 = vector.broadcast %mul3A_167 : vector<1x2048xf32> to vector<64x2048xf32>
    %ge3A_169 = arith.cmpf oge, %div3A_11, %ge3A_168 : vector<64x2048xf32>
    %jit3A_170 = arith.constant 0.000000e+00 : f32
    %broadcast_in_dim3A_171 = vector.broadcast %jit3A_170 : f32 to vector<64x2048xf32>
    %select_n3A_172 = arith.select %ge3A_169, %div3A_11, %broadcast_in_dim3A_171 : vector<64x2048xi1>, vector<64x2048xf32>
    %reduce_sum3A_173 = arith.constant dense<0.000000e+00> : vector<2048xf32>
    %reduce_sum3A_174 = vector.multi_reduction <add>, %select_n3A_172, %reduce_sum3A_173 [0] : vector<64x2048xf32> to vector<2048xf32>
    %broadcast_in_dim3A_175 = vector.shape_cast %reduce_sum3A_174 : vector<2048xf32> to vector<1x2048xf32>
    %le3A_176 = arith.constant 7.500000e-01 : f32
    %le3A_177 = vector.broadcast %le3A_176 : f32 to vector<1x2048xf32>
    %le3A_178 = arith.cmpf ole, %broadcast_in_dim3A_175, %le3A_177 : vector<1x2048xf32>
    %select_n3A_179 = arith.select %le3A_178, %select_n3A_162, %mul3A_167 : vector<1x2048xi1>, vector<1x2048xf32>
    %select_n3A_180 = arith.select %le3A_178, %mul3A_167, %select_n3A_163 : vector<1x2048xi1>, vector<1x2048xf32>
    %add3A_181 = arith.addf %select_n3A_179, %select_n3A_180 : vector<1x2048xf32>
    %mul3A_182 = arith.constant 5.000000e-01 : f32
    %mul3A_183 = vector.broadcast %mul3A_182 : f32 to vector<1x2048xf32>
    %mul3A_184 = arith.mulf %mul3A_183, %add3A_181 : vector<1x2048xf32>
    %ge3A_185 = vector.broadcast %mul3A_184 : vector<1x2048xf32> to vector<64x2048xf32>
    %ge3A_186 = arith.cmpf oge, %div3A_11, %ge3A_185 : vector<64x2048xf32>
    %jit3A_187 = arith.constant 0.000000e+00 : f32
    %broadcast_in_dim3A_188 = vector.broadcast %jit3A_187 : f32 to vector<64x2048xf32>
    %select_n3A_189 = arith.select %ge3A_186, %div3A_11, %broadcast_in_dim3A_188 : vector<64x2048xi1>, vector<64x2048xf32>
    %reduce_sum3A_190 = arith.constant dense<0.000000e+00> : vector<2048xf32>
    %reduce_sum3A_191 = vector.multi_reduction <add>, %select_n3A_189, %reduce_sum3A_190 [0] : vector<64x2048xf32> to vector<2048xf32>
    %broadcast_in_dim3A_192 = vector.shape_cast %reduce_sum3A_191 : vector<2048xf32> to vector<1x2048xf32>
    %le3A_193 = arith.constant 7.500000e-01 : f32
    %le3A_194 = vector.broadcast %le3A_193 : f32 to vector<1x2048xf32>
    %le3A_195 = arith.cmpf ole, %broadcast_in_dim3A_192, %le3A_194 : vector<1x2048xf32>
    %select_n3A_196 = arith.select %le3A_195, %select_n3A_179, %mul3A_184 : vector<1x2048xi1>, vector<1x2048xf32>
    %select_n3A_197 = arith.select %le3A_195, %mul3A_184, %select_n3A_180 : vector<1x2048xi1>, vector<1x2048xf32>
    %add3A_198 = arith.addf %select_n3A_196, %select_n3A_197 : vector<1x2048xf32>
    %mul3A_199 = arith.constant 5.000000e-01 : f32
    %mul3A_200 = vector.broadcast %mul3A_199 : f32 to vector<1x2048xf32>
    %mul3A_201 = arith.mulf %mul3A_200, %add3A_198 : vector<1x2048xf32>
    %ge3A_202 = vector.broadcast %mul3A_201 : vector<1x2048xf32> to vector<64x2048xf32>
    %ge3A_203 = arith.cmpf oge, %div3A_11, %ge3A_202 : vector<64x2048xf32>
    %jit3A_204 = arith.constant 0.000000e+00 : f32
    %broadcast_in_dim3A_205 = vector.broadcast %jit3A_204 : f32 to vector<64x2048xf32>
    %select_n3A_206 = arith.select %ge3A_203, %div3A_11, %broadcast_in_dim3A_205 : vector<64x2048xi1>, vector<64x2048xf32>
    %reduce_sum3A_207 = arith.constant dense<0.000000e+00> : vector<2048xf32>
    %reduce_sum3A_208 = vector.multi_reduction <add>, %select_n3A_206, %reduce_sum3A_207 [0] : vector<64x2048xf32> to vector<2048xf32>
    %broadcast_in_dim3A_209 = vector.shape_cast %reduce_sum3A_208 : vector<2048xf32> to vector<1x2048xf32>
    %le3A_210 = arith.constant 7.500000e-01 : f32
    %le3A_211 = vector.broadcast %le3A_210 : f32 to vector<1x2048xf32>
    %le3A_212 = arith.cmpf ole, %broadcast_in_dim3A_209, %le3A_211 : vector<1x2048xf32>
    %select_n3A_213 = arith.select %le3A_212, %mul3A_201, %select_n3A_197 : vector<1x2048xi1>, vector<1x2048xf32>
    %ge3A_214 = vector.broadcast %broadcast_in_dim3A_42 : vector<1x2048xf32> to vector<64x2048xf32>
    %ge3A_215 = arith.cmpf oge, %div3A_11, %ge3A_214 : vector<64x2048xf32>
    %or3A = vector.broadcast %ge3A_34 : vector<1x2048xi1> to vector<64x2048xi1>
    %or3A_216 = arith.ori %or3A, %ge3A_215 : vector<64x2048xi1>
    %ge3A_217 = vector.broadcast %select_n3A_213 : vector<1x2048xf32> to vector<64x2048xf32>
    %ge3A_218 = arith.cmpf oge, %div3A_11, %ge3A_217 : vector<64x2048xf32>
    %or3A_219 = arith.ori %or3A_216, %ge3A_218 : vector<64x2048xi1>
    %jit3A_220 = arith.constant 0.000000e+00 : f32
    %broadcast_in_dim3A_221 = vector.broadcast %jit3A_220 : f32 to vector<64x2048xf32>
    %select_n3A_222 = arith.select %or3A_219, %div3A_11, %broadcast_in_dim3A_221 : vector<64x2048xi1>, vector<64x2048xf32>
    %get3A_223 = arith.constant 0 : index
    %get3A_224 = arith.constant 0 : index
    %get3A_225 = vector.load %arg4[%get3A_223, %get3A_224] : memref<64x1xf32, #tpu.memory_space<vmem>>, vector<64x1xf32>
    %mul3A_226 = vector.broadcast %get3A_6 : vector<1x2048xf32> to vector<64x2048xf32>
    %mul3A_227 = arith.mulf %select_n3A_222, %mul3A_226 : vector<64x2048xf32>
    %reduce_sum3A_228 = arith.constant dense<0.000000e+00> : vector<64xf32>
    %reduce_sum3A_229 = vector.multi_reduction <add>, %mul3A_227, %reduce_sum3A_228 [1] : vector<64x2048xf32> to vector<64xf32>
    %broadcast_in_dim3A_230 = vector.shape_cast %reduce_sum3A_229 : vector<64xf32> to vector<64x1xf32>
    %add3A_231 = arith.addf %get3A_225, %broadcast_in_dim3A_230 : vector<64x1xf32>
    %swap3A = arith.constant 0 : index
    %swap3A_232 = arith.constant 0 : index
    %swap3A_233 = vector.load %arg4[%swap3A, %swap3A_232] : memref<64x1xf32, #tpu.memory_space<vmem>>, vector<64x1xf32>
    tpu.vector_store %arg4[%swap3A, %swap3A_232], %add3A_231 {strides = array<i32>} : memref<64x1xf32, #tpu.memory_space<vmem>>, vector<64x1xf32>,
    %get3A_234 = arith.constant 0 : index
    %get3A_235 = arith.constant 0 : index
    %get3A_236 = vector.load %arg5[%get3A_234, %get3A_235] : memref<64x1xf32, #tpu.memory_space<vmem>>, vector<64x1xf32>
    %mul3A_237 = vector.broadcast %get3A_6 : vector<1x2048xf32> to vector<64x2048xf32>
    %mul3A_238 = arith.mulf %div3A_11, %mul3A_237 : vector<64x2048xf32>
    %reduce_sum3A_239 = arith.constant dense<0.000000e+00> : vector<64xf32>
    %reduce_sum3A_240 = vector.multi_reduction <add>, %mul3A_238, %reduce_sum3A_239 [1] : vector<64x2048xf32> to vector<64xf32>
    %broadcast_in_dim3A_241 = vector.shape_cast %reduce_sum3A_240 : vector<64xf32> to vector<64x1xf32>
    %add3A_242 = arith.addf %get3A_236, %broadcast_in_dim3A_241 : vector<64x1xf32>
    %swap3A_243 = arith.constant 0 : index
    %swap3A_244 = arith.constant 0 : index
    %swap3A_245 = vector.load %arg5[%swap3A_243, %swap3A_244] : memref<64x1xf32, #tpu.memory_space<vmem>>, vector<64x1xf32>
    tpu.vector_store %arg5[%swap3A_243, %swap3A_244], %add3A_242 {strides = array<i32>} : memref<64x1xf32, #tpu.memory_space<vmem>>, vector<64x1xf32>,
    %get3A_246 = arith.constant 0 : index
    %get3A_247 = arith.constant 0 : index
    %get3A_248 = vector.load %arg6[%get3A_246, %get3A_247] : memref<3x1xf32, #tpu.memory_space<vmem>>, vector<1x1xf32>
    %reduce_sum3A_249 = vector.shape_cast %max3A_13 : vector<64x2048xf32> to vector<1x64x2048xf32>
    %reduce_sum3A_250 = arith.constant dense<0.000000e+00> : vector<1xf32>
    %reduce_sum3A_251 = vector.multi_reduction <add>, %reduce_sum3A_249, %reduce_sum3A_250 [1, 2] : vector<1x64x2048xf32> to vector<1xf32>
    %reduce_sum3A_252 = vector.shape_cast %reduce_sum3A_251 : vector<1xf32> to vector<1x1x1xf32>
    %reduce_sum3A_253 = vector.extract %reduce_sum3A_252[0, 0, 0] : f32 from vector<1x1x1xf32>
    %add3A_254 = vector.broadcast %reduce_sum3A_253 : f32 to vector<1x1xf32>
    %add3A_255 = arith.addf %get3A_248, %add3A_254 : vector<1x1xf32>
    %swap3A_256 = arith.constant 0 : index
    %swap3A_257 = arith.constant 0 : index
    %swap3A_258 = vector.load %arg6[%swap3A_256, %swap3A_257] : memref<3x1xf32, #tpu.memory_space<vmem>>, vector<1x1xf32>
    tpu.vector_store %arg6[%swap3A_256, %swap3A_257], %add3A_255 {strides = array<i32>} : memref<3x1xf32, #tpu.memory_space<vmem>>, vector<1x1xf32>,
    %get3A_259 = arith.constant 1 : index
    %get3A_260 = arith.constant 0 : index
    %get3A_261 = vector.load %arg6[%get3A_259, %get3A_260] : memref<3x1xf32, #tpu.memory_space<vmem>>, vector<1x1xf32>
    %reduce_sum3A_262 = vector.shape_cast %max3A_23 : vector<64x2048xf32> to vector<1x64x2048xf32>
    %reduce_sum3A_263 = arith.constant dense<0.000000e+00> : vector<1xf32>
    %reduce_sum3A_264 = vector.multi_reduction <add>, %reduce_sum3A_262, %reduce_sum3A_263 [1, 2] : vector<1x64x2048xf32> to vector<1xf32>
    %reduce_sum3A_265 = vector.shape_cast %reduce_sum3A_264 : vector<1xf32> to vector<1x1x1xf32>
    %reduce_sum3A_266 = vector.extract %reduce_sum3A_265[0, 0, 0] : f32 from vector<1x1x1xf32>
    %add3A_267 = vector.broadcast %reduce_sum3A_266 : f32 to vector<1x1xf32>
    %add3A_268 = arith.addf %get3A_261, %add3A_267 : vector<1x1xf32>
    %swap3A_269 = arith.constant 1 : index
    %swap3A_270 = arith.constant 0 : index
    %swap3A_271 = vector.load %arg6[%swap3A_269, %swap3A_270] : memref<3x1xf32, #tpu.memory_space<vmem>>, vector<1x1xf32>
    tpu.vector_store %arg6[%swap3A_269, %swap3A_270], %add3A_268 {strides = array<i32>} : memref<3x1xf32, #tpu.memory_space<vmem>>, vector<1x1xf32>,
    %get3A_272 = arith.constant 2 : index
    %get3A_273 = arith.constant 0 : index
    %get3A_274 = vector.load %arg6[%get3A_272, %get3A_273] : memref<3x1xf32, #tpu.memory_space<vmem>>, vector<1x1xf32>
    %reduce_sum3A_275 = vector.shape_cast %get3A_6 : vector<1x2048xf32> to vector<1x1x2048xf32>
    %reduce_sum3A_276 = arith.constant dense<0.000000e+00> : vector<1xf32>
    %reduce_sum3A_277 = vector.multi_reduction <add>, %reduce_sum3A_275, %reduce_sum3A_276 [1, 2] : vector<1x1x2048xf32> to vector<1xf32>
    %reduce_sum3A_278 = vector.shape_cast %reduce_sum3A_277 : vector<1xf32> to vector<1x1x1xf32>
    %reduce_sum3A_279 = vector.extract %reduce_sum3A_278[0, 0, 0] : f32 from vector<1x1x1xf32>
    %add3A_280 = vector.broadcast %reduce_sum3A_279 : f32 to vector<1x1xf32>
    %add3A_281 = arith.addf %get3A_274, %add3A_280 : vector<1x1xf32>
    %swap3A_282 = arith.constant 2 : index
    %swap3A_283 = arith.constant 0 : index
    %swap3A_284 = vector.load %arg6[%swap3A_282, %swap3A_283] : memref<3x1xf32, #tpu.memory_space<vmem>>, vector<1x1xf32>
    tpu.vector_store %arg6[%swap3A_282, %swap3A_283], %add3A_281 {strides = array<i32>} : memref<3x1xf32, #tpu.memory_space<vmem>>, vector<1x1xf32>,
    %eq3A_285 = arith.constant 27 : i32
    %eq3A_286 = arith.cmpi eq, %arg0, %eq3A_285 : i32
    %convert_element_type3A_287 = arith.extui %eq3A_286 : i1 to i32
    %cond3A_288 = arith.constant 0 : i32
    %cond3A_289 = arith.cmpi ne, %convert_element_type3A_287, %cond3A_288 : i32
    scf.if %cond3A_289 {
      %get3A_290 = arith.constant 0 : index
      %get3A_291 = arith.constant 0 : index
      %get3A_292 = vector.load %arg4[%get3A_290, %get3A_291] : memref<64x1xf32, #tpu.memory_space<vmem>>, vector<64x1xf32>
      %swap3A_293 = arith.constant 0 : index
      %swap3A_294 = arith.constant 0 : index
      %swap3A_295 = vector.load %arg3[%swap3A_293, %swap3A_294] : memref<132x1xf32, #tpu.memory_space<vmem>>, vector<64x1xf32>
      tpu.vector_store %arg3[%swap3A_293, %swap3A_294], %get3A_292 {strides = array<i32>} : memref<132x1xf32, #tpu.memory_space<vmem>>, vector<64x1xf32>,
      %get3A_296 = arith.constant 0 : index
      %get3A_297 = arith.constant 0 : index
      %get3A_298 = vector.load %arg5[%get3A_296, %get3A_297] : memref<64x1xf32, #tpu.memory_space<vmem>>, vector<64x1xf32>
      %swap3A_299 = arith.constant 64 : index
      %swap3A_300 = arith.constant 0 : index
      %swap3A_301 = vector.load %arg3[%swap3A_299, %swap3A_300] : memref<132x1xf32, #tpu.memory_space<vmem>>, vector<64x1xf32>
      tpu.vector_store %arg3[%swap3A_299, %swap3A_300], %get3A_298 {strides = array<i32>} : memref<132x1xf32, #tpu.memory_space<vmem>>, vector<64x1xf32>,
      %get3A_302 = arith.constant 0 : index
      %get3A_303 = arith.constant 0 : index
      %get3A_304 = vector.load %arg6[%get3A_302, %get3A_303] : memref<3x1xf32, #tpu.memory_space<vmem>>, vector<3x1xf32>
      %swap3A_305 = arith.constant 128 : index
      %swap3A_306 = arith.constant 0 : index
      %swap3A_307 = vector.load %arg3[%swap3A_305, %swap3A_306] : memref<132x1xf32, #tpu.memory_space<vmem>>, vector<3x1xf32>
      tpu.vector_store %arg3[%swap3A_305, %swap3A_306], %get3A_304 {strides = array<i32>} : memref<132x1xf32, #tpu.memory_space<vmem>>, vector<3x1xf32>,
      %broadcast_in_dim3A_308 = arith.constant 0.000000e+00 : f32
      %broadcast_in_dim3A_309 = vector.broadcast %broadcast_in_dim3A_308 : f32 to vector<1x1xf32>
      %swap3A_310 = arith.constant 131 : index
      %swap3A_311 = arith.constant 0 : index
      %swap3A_312 = vector.load %arg3[%swap3A_310, %swap3A_311] : memref<132x1xf32, #tpu.memory_space<vmem>>, vector<1x1xf32>
      tpu.vector_store %arg3[%swap3A_310, %swap3A_311], %broadcast_in_dim3A_309 {strides = array<i32>} : memref<132x1xf32, #tpu.memory_space<vmem>>, vector<1x1xf32>,
    } else {
    }
    return
  }
  func.func @transform_0(%arg0: i32) -> (i32, i32) {
    %add3A = arith.constant 4 : i32
    %add3A_0 = arith.addi %arg0, %add3A : i32
    %c0_i32 = arith.constant 0 : i32
    %c0_i32_1 = arith.constant 0 : i32
    return %c0_i32, %add3A_0 : i32, i32
  }
  func.func @transform_1(%arg0: i32) -> (i32, i32) {
    %add3A = arith.constant 4 : i32
    %add3A_0 = arith.addi %arg0, %add3A : i32
    %c0_i32 = arith.constant 0 : i32
    %c0_i32_1 = arith.constant 0 : i32
    return %c0_i32, %add3A_0 : i32, i32
  }
  func.func @transform_2(%arg0: i32) -> (i32, i32) {
    %c0_i32 = arith.constant 0 : i32
    %c0_i32_0 = arith.constant 0 : i32
    %c0_i32_1 = arith.constant 0 : i32
    return %c0_i32, %c0_i32_0 : i32, i32
  }
}

module attributes {stable_mosaic.version = 14 : i64} {
  func.func @_combine_body(%arg0: memref<32x132x16xf32, #tpu.memory_space<vmem>>, %arg1: memref<132x1xf32, #tpu.memory_space<vmem>>, %arg2: memref<1x1xf32, #tpu.memory_space<vmem>>) attributes {dimension_semantics = [], scalar_prefetch = 0 : i64, scratch_operands = 0 : i64, tpu.core_type = #tpu.core_type<tc>} {
    %get3A = arith.constant 0 : index
    %get3A_0 = arith.constant 0 : index
    %get3A_1 = arith.constant 0 : index
    %get3A_2 = vector.load %arg0[%get3A, %get3A_0, %get3A_1] : memref<32x132x16xf32, #tpu.memory_space<vmem>>, vector<32x132x16xf32>
    %reduce_sum3A = arith.constant dense<0.000000e+00> : vector<132x16xf32>
    %reduce_sum3A_3 = vector.multi_reduction <add>, %get3A_2, %reduce_sum3A [0] : vector<32x132x16xf32> to vector<132x16xf32>
    %get3A_4 = arith.constant 0 : index
    %get3A_5 = arith.constant 0 : index
    %get3A_6 = vector.load %arg1[%get3A_4, %get3A_5] : memref<132x1xf32, #tpu.memory_space<vmem>>, vector<132x1xf32>
    %slice3A = vector.extract_strided_slice %reduce_sum3A_3 {offsets = [0, 0], sizes = [64, 16], strides = [1, 1]} : vector<132x16xf32> to vector<64x16xf32>
    %reduce_sum3A_7 = arith.constant dense<0.000000e+00> : vector<64xf32>
    %reduce_sum3A_8 = vector.multi_reduction <add>, %slice3A, %reduce_sum3A_7 [1] : vector<64x16xf32> to vector<64xf32>
    %broadcast_in_dim3A = vector.shape_cast %reduce_sum3A_8 : vector<64xf32> to vector<64x1xf32>
    %slice3A_9 = vector.extract_strided_slice %get3A_6 {offsets = [0, 0], sizes = [64, 1], strides = [1, 1]} : vector<132x1xf32> to vector<64x1xf32>
    %add3A = arith.addf %broadcast_in_dim3A, %slice3A_9 : vector<64x1xf32>
    %slice3A_10 = vector.extract_strided_slice %reduce_sum3A_3 {offsets = [64, 0], sizes = [64, 16], strides = [1, 1]} : vector<132x16xf32> to vector<64x16xf32>
    %reduce_sum3A_11 = arith.constant dense<0.000000e+00> : vector<64xf32>
    %reduce_sum3A_12 = vector.multi_reduction <add>, %slice3A_10, %reduce_sum3A_11 [1] : vector<64x16xf32> to vector<64xf32>
    %broadcast_in_dim3A_13 = vector.shape_cast %reduce_sum3A_12 : vector<64xf32> to vector<64x1xf32>
    %slice3A_14 = vector.extract_strided_slice %get3A_6 {offsets = [64, 0], sizes = [64, 1], strides = [1, 1]} : vector<132x1xf32> to vector<64x1xf32>
    %add3A_15 = arith.addf %broadcast_in_dim3A_13, %slice3A_14 : vector<64x1xf32>
    %slice3A_16 = vector.extract_strided_slice %reduce_sum3A_3 {offsets = [128, 0], sizes = [1, 16], strides = [1, 1]} : vector<132x16xf32> to vector<1x16xf32>
    %reduce_sum3A_17 = arith.constant dense<0.000000e+00> : vector<1xf32>
    %reduce_sum3A_18 = vector.multi_reduction <add>, %slice3A_16, %reduce_sum3A_17 [1] : vector<1x16xf32> to vector<1xf32>
    %broadcast_in_dim3A_19 = vector.shape_cast %reduce_sum3A_18 : vector<1xf32> to vector<1x1xf32>
    %slice3A_20 = vector.extract_strided_slice %get3A_6 {offsets = [128, 0], sizes = [1, 1], strides = [1, 1]} : vector<132x1xf32> to vector<1x1xf32>
    %add3A_21 = arith.addf %broadcast_in_dim3A_19, %slice3A_20 : vector<1x1xf32>
    %slice3A_22 = vector.extract_strided_slice %reduce_sum3A_3 {offsets = [129, 0], sizes = [1, 16], strides = [1, 1]} : vector<132x16xf32> to vector<1x16xf32>
    %reduce_sum3A_23 = arith.constant dense<0.000000e+00> : vector<1xf32>
    %reduce_sum3A_24 = vector.multi_reduction <add>, %slice3A_22, %reduce_sum3A_23 [1] : vector<1x16xf32> to vector<1xf32>
    %broadcast_in_dim3A_25 = vector.shape_cast %reduce_sum3A_24 : vector<1xf32> to vector<1x1xf32>
    %slice3A_26 = vector.extract_strided_slice %get3A_6 {offsets = [129, 0], sizes = [1, 1], strides = [1, 1]} : vector<132x1xf32> to vector<1x1xf32>
    %add3A_27 = arith.addf %broadcast_in_dim3A_25, %slice3A_26 : vector<1x1xf32>
    %slice3A_28 = vector.extract_strided_slice %reduce_sum3A_3 {offsets = [130, 0], sizes = [1, 16], strides = [1, 1]} : vector<132x16xf32> to vector<1x16xf32>
    %reduce_sum3A_29 = arith.constant dense<0.000000e+00> : vector<1xf32>
    %reduce_sum3A_30 = vector.multi_reduction <add>, %slice3A_28, %reduce_sum3A_29 [1] : vector<1x16xf32> to vector<1xf32>
    %broadcast_in_dim3A_31 = vector.shape_cast %reduce_sum3A_30 : vector<1xf32> to vector<1x1xf32>
    %slice3A_32 = vector.extract_strided_slice %get3A_6 {offsets = [130, 0], sizes = [1, 1], strides = [1, 1]} : vector<132x1xf32> to vector<1x1xf32>
    %add3A_33 = arith.addf %broadcast_in_dim3A_31, %slice3A_32 : vector<1x1xf32>
    %pow3A = arith.constant 1.200000e+00 : f32
    %pow3A_34 = vector.broadcast %pow3A : f32 to vector<1x1xf32>
    %pow3A_35 = math.powf %add3A_21, %pow3A_34 : vector<1x1xf32>
    %div3A = arith.divf %add3A_27, %pow3A_35 : vector<1x1xf32>
    %sub3A = arith.constant 1.000000e+00 : f32
    %sub3A_36 = vector.broadcast %sub3A : f32 to vector<1x1xf32>
    %sub3A_37 = arith.subf %sub3A_36, %div3A : vector<1x1xf32>
    %div3A_38 = arith.constant 2.000000e-01 : f32
    %div3A_39 = vector.broadcast %div3A_38 : f32 to vector<1x1xf32>
    %div3A_40 = arith.divf %sub3A_37, %div3A_39 : vector<1x1xf32>
    %mul3A = arith.mulf %add3A, %add3A_15 : vector<64x1xf32>
    %reduce_sum3A_41 = arith.constant dense<0.000000e+00> : vector<1xf32>
    %reduce_sum3A_42 = vector.multi_reduction <add>, %mul3A, %reduce_sum3A_41 [0] : vector<64x1xf32> to vector<1xf32>
    %broadcast_in_dim3A_43 = vector.shape_cast %reduce_sum3A_42 : vector<1xf32> to vector<1x1xf32>
    %mul3A_44 = arith.constant 6.400000e+01 : f32
    %mul3A_45 = vector.broadcast %mul3A_44 : f32 to vector<1x1xf32>
    %mul3A_46 = arith.mulf %mul3A_45, %broadcast_in_dim3A_43 : vector<1x1xf32>
    %mul3A_47 = arith.mulf %add3A_33, %add3A_33 : vector<1x1xf32>
    %div3A_48 = arith.divf %mul3A_46, %mul3A_47 : vector<1x1xf32>
    %mul3A_49 = arith.constant 1.000000e-03 : f32
    %mul3A_50 = vector.broadcast %mul3A_49 : f32 to vector<1x1xf32>
    %mul3A_51 = arith.mulf %mul3A_50, %div3A_40 : vector<1x1xf32>
    %mul3A_52 = arith.constant 1.000000e-03 : f32
    %mul3A_53 = vector.broadcast %mul3A_52 : f32 to vector<1x1xf32>
    %mul3A_54 = arith.mulf %mul3A_53, %div3A_48 : vector<1x1xf32>
    %add3A_55 = arith.addf %mul3A_51, %mul3A_54 : vector<1x1xf32>
    %swap3A = arith.constant 0 : index
    %swap3A_56 = arith.constant 0 : index
    %swap3A_57 = vector.load %arg2[%swap3A, %swap3A_56] : memref<1x1xf32, #tpu.memory_space<vmem>>, vector<1x1xf32>
    tpu.vector_store %arg2[%swap3A, %swap3A_56], %add3A_55 {strides = array<i32>} : memref<1x1xf32, #tpu.memory_space<vmem>>, vector<1x1xf32>,
    return
  }
}

</mosaic_0001>

<sc_bundles>
// kernel: kernel.5.cloned.1.call-start
scs
__scs_entry_jumppad:
0x0: {  	(pc) =	sbr.rel $0x88, $3  }
0x1: {  	(tag) =	ssettag $0x0;
	lr =	simm.s32 $0x1  }
0x2: {  	[smem:$0x3F9F] =	sst lr;
	_ =	strace $0xD0000000  }
0x3: {  	_ = 	snop  }
0x4: {  	_ = 	snop  }
0x5: {  	_ = 	snop  }
0x6: {  	_ = 	snop  }
0x7: {  	_ = 	snop  }
__scs_overlays_trampoline_lowered:
0x8: {  	[smem:$0x3FAE] =	sst s0  }
0x9: {  	[smem:$0x3FAF] =	sst s1  }
0xa: {  	[smem:$0x3FB0] =	sst s2  }
0xb: {  	[smem:$0x3FB1] =	sst s3  }
0xc: {  	[smem:$0x3FB2] =	sst s4  }
0xd: {  	[smem:$0x3FB3] =	sst s5  }
0xe: {  	[smem:$0x3FB4] =	sst s6  }
0xf: {  	[smem:$0x3FB5] =	sst s7  }
0x10: {  	[smem:$0x3FB6] =	sst s8  }
0x11: {  	[smem:$0x3FB7] =	sst s9;
	s0 =	simm.s32 @!p0 $0x0  }
0x12: {  	s1 =	sld [smem:$0x3F9D];
	s0 =	simm.s32 @p0 $0x1  }
0x13: {  	[smem:$0x3FB8] =	sst s0;
	s0 =	simm.s32 @!p1 $0x0  }
0x14: {  	s2 =	sld [smem:$0x3F9C];
	s0 =	simm.s32 @p1 $0x1  }
0x15: {  	[smem:$0x3FB9] =	sst s0;
	s0 =	simm.s32 @!p2 $0x0  }
0x16: {  	s3 =	sld [smem:$0x3FDB];
	s0 =	simm.s32 @p2 $0x1  }
0x17: {  	s4 =	simm.s32 $0x1BF5;
	[smem:$0x3FBB] =	sst s0  }
0x18: {  	s0 =	sld [smem:$0x3F9E];
	_ =	swait.ge [sflag:s4], $0x0  }
0x19: {  	s7 =	sld [smem:$0x3F9F]  }
0x1a: {  	s8 =	sadd.s32 $0xFFFFE003, lr  }
0x1b: {  	s9 =	sadd.s32 $0xFFFFFEF7, lr;
	s5 =	simm.s32 $0xFFFFFFFF;
	p2 =	slt.u32 s8, $0xFFFFF086  }
0x1c: {  	p1 =	slt.u32 s9, $0xF7A;
	s5 =	simm.s32 @!p2 $0x0  }
0x1d: {  	s5 =	simm.s32 @p1 $0x1;
	p0 =	seq.s32 s7, s2  }
0x1e: {  	s7 =	smul.u32 @!p0 $0xF7A, s2;
	p2 =	seq.s32 @!p0 s5, $0x0  }
0x1f: {  	s9 =	smul.u32 $0xF7A, s1;
	s8 =	simm.s32 @!p0 $0x1BF5;
	p2 =	por !p2, p0  }
0x20: {  	[sflag:s8] =	ssyncset.s32 @!p0 $0xFFFFF086;
	s6 =	sadd.s32 @!p0 s3, s7;
	s7 =	simm.s32 @!p0 $0x108  }
0x21: {  	s3 =	sadd.s32 s3, s9;
	s6 =	sadd.s32 @!p0 $0x88, s6;
	s7 =	simm.s32 @p2 $0x1082  }
0x22: {  	[simem:s7], [sflag:s8] =	dma.local @!p0 [hbm:s6], $0xF7A  }
0x23: {  	s9 =	sor.u32 $0xD0000000, s2;
	s6 =	simm.s32 $0x108;
	_ =	swait.ge @!p0 [sflag:s8], $0x0  }
0x24: {  	s3 =	sadd.s32 $0x88, s3;
	s6 =	simm.s32 @!p1 $0x1082;
	[sflag:s4] =	ssyncset.s32 $0xFFFFF086  }
0x25: {  	[simem:s6], [sflag:s4] =	dma.local [hbm:s3], $0xF7A  }
0x26: {  	[smem:$0x3F9F] =	sst s1;
	(tag) =	ssettag s2;
	_ =	strace s9  }
0x27: {  	s1 =	sld [smem:$0x3FAF]  }
0x28: {  	s2 =	sld [smem:$0x3FB0]  }
0x29: {  	s4 =	sld [smem:$0x3FB2]  }
0x2a: {  	p0 =	seq.s32 s5, $0x0;
	s5 =	sld [smem:$0x3FB3]  }
0x2b: {  	s6 =	sld [smem:$0x3FB4]  }
0x2c: {  	s7 =	sld [smem:$0x3FB5]  }
0x2d: {  	s3 =	simm.s32 $0x108;
	s8 =	sld [smem:$0x3FB6]  }
0x2e: {  	s3 =	simm.s32 @!p0 $0x1082;
	s9 =	sld [smem:$0x3FB7]  }
0x2f: {  	lr =	sadd.s32 s0, s3;
	s0 =	sld [smem:$0x3FAE]  }
0x30: {  	s3 =	sld [smem:$0x3FB1]  }
0x31: {  	[smem:$0x3FBA] =	sst s10  }
0x32: {  	s10 =	sld [smem:$0x3FB8];
	_ =	sdelay $0x3  }
0x33: {  	p0 =	seq.s32 s10, $0x1;
	s10 =	sld [smem:$0x3FBA];
	_ =	sdelay $0x3  }
0x34: {  	[smem:$0x3FBA] =	sst s10  }
0x35: {  	s10 =	sld [smem:$0x3FB9];
	_ =	sdelay $0x3  }
0x36: {  	p1 =	seq.s32 s10, $0x1;
	s10 =	sld [smem:$0x3FBA];
	_ =	sdelay $0x3  }
0x37: {  	[smem:$0x3FBA] =	sst s10  }
0x38: {  	s10 =	sld [smem:$0x3FBB]  }
0x39: {  	_ = 	snop;
	(pc) =	sbr.ind lr, $3  }
0x3a: {  	_ = 	snop  }
0x3b: {  	_ = 	snop  }
0x3c: {  	p2 =	seq.s32 s10, $0x1;
	s10 =	sld [smem:$0x3FBA]  }
0x3d: {  	_ =	shalt  }
0x3e: {  	_ =	shalt  }
0x3f: {  	_ =	shalt  }
0x40: {  	_ =	shalt  }
0x41: {  	_ =	shalt  }
0x42: {  	_ =	shalt  }
0x43: {  	_ =	shalt  }
0x44: {  	_ =	shalt  }
0x45: {  	_ =	shalt  }
0x46: {  	_ =	shalt  }
0x47: {  	_ =	shalt  }
0x48: {  	_ =	shalt  }
0x49: {  	_ =	shalt  }
0x4a: {  	_ =	shalt  }
0x4b: {  	_ =	shalt  }
0x4c: {  	_ =	shalt  }
0x4d: {  	_ =	shalt  }
0x4e: {  	_ =	shalt  }
0x4f: {  	_ =	shalt  }
0x50: {  	_ =	shalt  }
0x51: {  	_ =	shalt  }
0x52: {  	_ =	shalt  }
0x53: {  	_ =	shalt  }
0x54: {  	_ =	shalt  }
0x55: {  	_ =	shalt  }
0x56: {  	_ =	shalt  }
0x57: {  	_ =	shalt  }
0x58: {  	_ =	shalt  }
0x59: {  	_ =	shalt  }
0x5a: {  	_ =	shalt  }
0x5b: {  	_ =	shalt  }
0x5c: {  	_ =	shalt  }
0x5d: {  	_ =	shalt  }
0x5e: {  	_ =	shalt  }
0x5f: {  	_ =	shalt  }
0x60: {  	_ =	shalt  }
0x61: {  	_ =	shalt  }
0x62: {  	_ =	shalt  }
0x63: {  	_ =	shalt  }
0x64: {  	_ =	shalt  }
0x65: {  	_ =	shalt  }
0x66: {  	_ =	shalt  }
0x67: {  	_ =	shalt  }
0x68: {  	_ =	shalt  }
0x69: {  	_ =	shalt  }
0x6a: {  	_ =	shalt  }
0x6b: {  	_ =	shalt  }
0x6c: {  	_ =	shalt  }
0x6d: {  	_ =	shalt  }
0x6e: {  	_ =	shalt  }
0x6f: {  	_ =	shalt  }
0x70: {  	_ =	shalt  }
0x71: {  	_ =	shalt  }
0x72: {  	_ =	shalt  }
0x73: {  	_ =	shalt  }
0x74: {  	_ =	shalt  }
0x75: {  	_ =	shalt  }
0x76: {  	_ =	shalt  }
0x77: {  	_ =	shalt  }
0x78: {  	_ =	shalt  }
0x79: {  	_ =	shalt  }
0x7a: {  	_ =	shalt  }
0x7b: {  	_ =	shalt  }
0x7c: {  	_ =	shalt  }
0x7d: {  	_ =	shalt  }
0x7e: {  	_ =	shalt  }
0x7f: {  	_ =	shalt  }
0x80: {  	_ =	shalt  }
0x81: {  	_ =	shalt  }
0x82: {  	_ =	shalt  }
0x83: {  	_ =	shalt  }
0x84: {  	_ =	shalt  }
0x85: {  	_ =	shalt  }
0x86: {  	_ =	shalt  }
0x87: {  	_ =	shalt  }
.Lfunc_end0:
.L_simem_size_0:
called_computation_lowered:
.L_overlay_start_0:
0x88: {  	s2 =	sld [smem:$0x3FD9]  }
0x89: {  	s3 =	sld [smem:$0x3FFE];
	_ =	sdelay $0x1  }
0x8a: {  	s1 =	srdreg.scid  }
0x8b: {  	s0 =	sand.u32 $0x1, s1  }
0x8c: {  	s16 =	sshll.u32 s0, $0xA;
	s2 =	sadd.s32 s3, s2  }
0x8d: {  	s2 =	sadd.s32 s2, s16  }
0x8e: {  	[smem:$0x3FC6] =	sst s2  }
0x8f: {  	_ = 	snop  }
0x90: {  	(tm) =	ssettm $0x1  }
0x91: {  	s17 =	sld [smem:$0x3FFB];
	_ =	sdelay $0x3  }
0x92: {  	_ =	strace s17  }
0x93: {  	s2 =	sld [smem:$0x3FFC];
	_ =	sdelay $0x3  }
0x94: {  	_ =	strace s2  }
0x95: {  	s2 =	sld [smem:$0x3FFD];
	_ =	sdelay $0x3  }
0x96: {  	_ =	strace s2  }
0x97: {  	_ =	strace $0x8FFFFFFF  }
0x98: {  	s18 =	sld [smem:$0x3FDB];
	_ =	sdelay $0x1  }
0x99: {  	s19 =	simm.s32 $_scs_section_size  }
0x9a: {  	s4 =	simm.s32 $_size__tile_overlayer_lowered;
	s5 =	simm.s32 $_tile_overlayer_lowered  }
0x9b: {  	s22 =	simm.s32 $0x1BFF;
	s21 =	sshll.u32 s5, $0x1;
	s2 =	sadd.s32 s19, s18  }
0x9c: {  	s6 =	simm.s32 $0x0;
	s20 =	sshll.u32 s4, $0x1;
	s4 =	sadd.s32 s21, s2  }
0x9d: {  	[timem:s6], [sflag:s22] =	dma.local [hbm:s4], s20  }
0x9e: {  	_ =	swait.ge [sflag:s22], s20  }
0x9f: {  	s3 =	ssub.s32 $0x0, s20;
	[sflag:s22] =	ssyncset.done $0x0  }
0xa0: {  	[sflag:s22] =	ssyncadd.s32 s3;
	_ =	sdelay $0x1  }
0xa1: {  	s23 =	simm.s32 $0x1B8B  }
0xa2: {  	_ =	swait.ge [sflag:s23], $0x1  }
0xa3: {  	[sflag:s23] =	ssyncset.done $0x0  }
0xa4: {  	s25 =	simm.s32 $0x1B8E;
	s24 =	sld [smem:$0x3FFE];
	[sflag:s23] =	ssyncadd.s32 $0xFFFFFFFF  }
0xa5: {  	s26 =	simm.s32 $execute0_lowered;
	[smem:$0x3FD2] =	sst s25  }
0xa6: {  	s4 =	sshll.u32 s26, $0x1;
	_ =	strace $0x80000046;
	[dreg:$0x1] =	wrdreg $0xFFFFFFFF  }
0xa7: {  	s28 =	simm.s32 $_size_execute0_lowered;
	s2 =	sadd.s32 s2, s4;
	[dreg:$0x0] =	wrdreg $0x0  }
0xa8: {  	s4 =	sshll.u32 s28, $0x1;
	[dreg:$0x2] =	wrdreg s2  }
0xa9: {  	[dreg:$0x3] =	wrdreg s4  }
0xaa: {  	[dreg:$0x4] =	wrdreg $0xC0  }
0xab: {  	_ =	task [dreg:s6], $0x5FFFF  }
0xac: {  	[dreg:$0x1] =	wrdreg $0xFFFFFFFF  }
0xad: {  	[dreg:$0x0] =	wrdreg $0x60  }
0xae: {  	[dreg:$0x2] =	wrdreg s24  }
0xaf: {  	[dreg:$0x3] =	wrdreg $0x9  }
0xb0: {  	_ =	task.clear_ibuf [dreg:s6], $0x4FFFF;
	_ =	strace $0x90000046  }
0xb1: {  	s29 =	simm.s32 $0x9;
	_ =	strace $0x80000048  }
0xb2: {  	_ =	swait.ge [sflag:s29], $0x1  }
0xb3: {  	[sflag:s29] =	ssyncadd.s32 $0xFFFFFFFF  }
0xb4: {  	_ =	strace $0x90000048  }
0xb5: {  	_ =	sfence  }
0xb6: {  	s30 =	sld [smem:$0x0];
	_ =	sdelay $0x2  }
0xb7: {  	s31 =	sshll.u32 s1, $0xD;
	s1 =	sshrl.u32 s1, $0x2  }
0xb8: {  	s3 =	sand.u32 $0x4000, s31;
	s1 =	sadd.s32 s1, s30  }
0xb9: {  	s0 =	sor.u32 s3, s0;
	s1 =	sshll.u32 s1, $0x11  }
0xba: {  	s0 =	sor.u32 s1, s0  }
0xbb: {  	s0 =	sadd.s32 $0x8F2B, s0  }
0xbc: {  	[sflag:s0] =	ssyncadd.remote.s32 $0x1  }
0xbd: {  	_ =	sfence.sel $0xFFFF  }
0xbe: {  	[dreg:$0x0] =	wrdreg $0xFFFFFFFF;
	(pc) =	sbr.abs _section_cstart, $3  }
0xbf: {  	[dreg:$0x1] =	wrdreg $0xFFFFFFFF  }
0xc0: {  	_ =	task.clear_ibuf [dreg:s6], $0x2FFFF;
	_ =	strace $0x9FFFFFFF  }
0xc1: {  	(tm) =	ssettm $0x7FFFFFFF  }
tec
execute0_lowered:
.L_overlay_start_1:
0x0: {  	(tag) =	ssettag $0x1  }
0x1: {  	s3 =	rddreg [dreg:$0x0];
	s1 =	simm.s32 $0x0  }
0x2: {  	[smem:$0x7FF] =	sst s1  }
0x3: {  	s0 =	rddreg [dreg:$0x1];
	v0 =	vimm.f32 $2.000000030e-01;
	_ =	strace $0x80000047  }
0x4: {  	(erf) = vrcp.f32 v0;
	_ =	sdelay $0x1  }
0x5: {  	s4 =	srdreg.scid;
	s2 =	stileid.u32  }
0x6: {  	s4 =	sand.u32 $0x1, s4;
	s5 =	sshll.u32 s2, $0x1  }
0x7: {  	s9 =	simm.s32 $0x8100;
	s10 =	simm.s32 $0x0;
	s5 =	sor.u32 s4, s5  }
0x8: {  	s4 =	ssub.s32 $0x2, s4;
	s6 =	sshll.u32 s5, $0xB;
	s7 =	smul.u32 $0x880, s5  }
0x9: {  	s5 =	sshll.u32 s5, $0x5;
	s31 =	sshrl.u32 s4, $0x1;
	s6 =	sadd.s32 s6, s3  }
0xa: {  	s5 =	sadd.s32 s5, s3;
	s8 =	ssub.s32 s4, s31;
	s7 =	sadd.s32 s7, s3  }
0xb: {  	s3 =	sadd.s32 $0x1000, s6;
	s4 =	sadd.s32 $0xC00, s5;
	s6 =	smax.u32 s8, $0x1  }
0xc: {  	v1 =	vimm.f32 $0.0e+00;
	v2 =	vimm.f32 $5.000000000e-01;
	s8 =	simm.s32 $0x4000;
	s5 =	sadd.s32 $0x11000, s7;
	s7 =	simm.s32 $0x1;
	v0 =	vpop (erf)  }
.LBB2_1:
0xd: {  	s11 =	simm.s32 $0x200;
	s12 =	simm.s32 $0x0  }
.LBB2_2:
0xe: {  	p0 =	sne.s32 s11, $0x10600;
	[tilespmem:s12+$0x8100] =	vst v1;
	s12 =	smov.u32 s11;
	s11 =	sadd.s32 $0x200, s11  }
.Ltmp0:
0xf: {  	(pc) =	sbr.rel @p0 .LBB2_2-.Ltmp0, $2  }
0x10: {  	_ =	sdelay $0x2  }
0x11: {  	s12 =	sshra.s32 s12, $0x2  }
0x12: {  	[tilespmem:s12+$0x8100] =	vst v1;
	s11 =	simm.s32 $0x0  }
0x13: {  	[tilespmem:s11], [sflag:$0x1] =	stream.linear.gather [hbm4b:s3+s11], $0x4000, $0x38;
	[tilespmem:$0xC500] =	vst v63  }
0x14: {  	_ =	swait.ge [sflag:s7], $0x4000  }
0x15: {  	[sflag:s7] =	ssyncset.done $0x0  }
0x16: {  	[sflag:s7] =	ssyncadd.s32 $0xFFFFC000  }
0x17: {  	[tilespmem:s8], [sflag:$0x1] =	stream.linear.gather [hbm4b:s4+s11], $0x100, $0x38;
	[tilespmem:$0xC500] =	vst v63  }
0x18: {  	_ =	swait.ge [sflag:s7], $0x100  }
0x19: {  	s12 =	simm.s32 $0x0;
	[sflag:s7] =	ssyncset.done $0x0  }
0x1a: {  	v3 =	vimm.f32 $0.0e+00;
	s13 =	simm.s32 $0x0;
	v4 =	vimm.f32 $0.0e+00;
	v5 =	vimm.f32 $0.0e+00;
	s14 =	simm.s32 $0x0;
	[sflag:s7] =	ssyncadd.s32 $0xFFFFFF00  }
.LBB2_4:
0x1b: {  	s15 =	sshll.u32 s13, $0x2;
	s16 =	sand.u32 $0x7, s12  }
0x1c: {  	s15 =	sand.u32 $0xFFFFF000, s15;
	s16 =	sshll.u32 s16, $0x6  }
0x1d: {  	s15 =	sor.u32 s16, s15  }
0x1e: {  	s16 =	sshrl.u32 s15, $0x2  }
0x1f: {  	s19 =	sor.u32 $0x200, s16  }
0x20: {  	v6 =	vmov s19;
	_ =	sdelay $0x3  }
0x21: {  	s21 =	simm.s32 $0x0  }
0x22: {  	v9 =	vld.idx.msk [tilespmem:v6+s21+$0xFFFFFE00 ss:$0x1], $0xffff  }
0x23: {  	v10 =	vld.idx.msk [tilespmem:v6+s21+$0xFFFFFE80 ss:$0x1], $0xffff  }
0x24: {  	v11 =	vld.idx.msk [tilespmem:v6+s21+$0xFFFFFF00 ss:$0x1], $0xffff  }
0x25: {  	v12 =	vld.idx.msk [tilespmem:v6+s21+$0xFFFFFF80 ss:$0x1], $0xffff  }
0x26: {  	v13 =	vld.idx.msk [tilespmem:v6+s21+$0x0 ss:$0x1], $0xffff  }
0x27: {  	v8 =	vimm.f32 $-1.000000020e+30;
	v14 =	vld.idx.msk [tilespmem:v6+s21+$0x80 ss:$0x1], $0xffff  }
0x28: {  	v16 =	vld.idx.msk [tilespmem:v6+s21+$0x100 ss:$0x1], $0xffff;
	v15 =	vmax.f32 v8, v9  }
0x29: {  	s20 =	simm.s32 $0x800;
	v7 =	vld.idx.msk [tilespmem:v6+s21+$0x180 ss:$0x1], $0xffff;
	v17 =	vmax.f32 v15, v10  }
0x2a: {  	v19 =	vld.idx.msk [tilespmem:v6+s20+$0xFFFFFE00 ss:$0x1], $0xffff;
	v18 =	vmin.f32 v8, v9;
	v10 =	vmin.f32 v15, v10;
	v15 =	vmax.f32 v17, v11  }
0x2b: {  	v9 =	vld.idx.msk [tilespmem:v6+s20+$0xFFFFFE80 ss:$0x1], $0xffff;
	v18 =	vmax.f32 v8, v18;
	v11 =	vmin.f32 v17, v11;
	v17 =	vmax.f32 v15, v12  }
0x2c: {  	v8 =	vld.idx.msk [tilespmem:v6+s20+$0xFFFFFF00 ss:$0x1], $0xffff;
	v18 =	vmax.f32 v18, v10;
	v12 =	vmin.f32 v15, v12;
	v15 =	vmax.f32 v17, v13  }
0x2d: {  	v10 =	vld.idx.msk [tilespmem:v6+s20+$0xFFFFFF80 ss:$0x1], $0xffff;
	v18 =	vmax.f32 v18, v11;
	v13 =	vmin.f32 v17, v13;
	v17 =	vmax.f32 v15, v14  }
0x2e: {  	s17 =	sand.u32 $0xFFFFFC00, s13;
	v11 =	vld.idx.msk [tilespmem:v6+s20+$0x0 ss:$0x1], $0xffff;
	v18 =	vmax.f32 v18, v12;
	v20 =	vmin.f32 v15, v14;
	v15 =	vmax.f32 v17, v16  }
0x2f: {  	s18 =	sshll.u32 s14, $0x7;
	s17 =	sadd.s32 s17, s11;
	v12 =	vld.idx.msk [tilespmem:v6+s20+$0x80 ss:$0x1], $0xffff;
	v18 =	vmax.f32 v18, v13;
	v17 =	vmin.f32 v17, v16;
	v13 =	vmax.f32 v15, v7  }
0x30: {  	s15 =	sadd.s32 $0x4300, s16;
	s16 =	sshll.u32 s14, $0x4;
	s21 =	simm.s32 $0x4000;
	v18 =	vmax.f32 v18, v20;
	v14 =	vmin.f32 v13, v19;
	v16 =	vmax.f32 v13, v19;
	v13 =	vld.idx.msk [tilespmem:v6+s20+$0x100 ss:$0x1], $0xffff  }
.LBB2_5:
0x31: {  	p0 =	seq.s32 s21, $0xE000;
	v19 =	vmax.f32 v16, v9;
	v17 =	vmax.f32 v18, v17;
	v15 =	vmin.f32 v15, v7;
	v7 =	vld.idx.msk [tilespmem:v6+s20+$0x180 ss:$0x1], $0xffff;
	s20 =	sshra.s32 s21, $0x2;
	s21 =	sadd.s32 $0x2000, s21  }
0x32: {  	v16 =	vmin.f32 v16, v9;
	v18 =	vld.idx.msk [tilespmem:v6+s20+$0xFFFFFE00 ss:$0x1], $0xffff;
	v20 =	vmax.f32 v19, v8;
	v15 =	vmax.f32 v17, v15  }
0x33: {  	v9 =	vld.idx.msk [tilespmem:v6+s20+$0xFFFFFE80 ss:$0x1], $0xffff;
	v14 =	vmax.f32 v15, v14;
	v15 =	vmin.f32 v19, v8;
	v17 =	vmax.f32 v20, v10  }
.Ltmp1:
0x34: {  	v8 =	vld.idx.msk [tilespmem:v6+s20+$0xFFFFFF00 ss:$0x1], $0xffff;
	v14 =	vmax.f32 v14, v16;
	v16 =	vmin.f32 v20, v10;
	v19 =	vmax.f32 v17, v11;
	(pc) =	sbr.rel @!p0 .LBB2_5-.Ltmp1, $4  }
0x35: {  	v17 =	vmin.f32 v17, v11;
	v10 =	vld.idx.msk [tilespmem:v6+s20+$0xFFFFFF80 ss:$0x1], $0xffff;
	v14 =	vmax.f32 v14, v15;
	v20 =	vmax.f32 v19, v12  }
0x36: {  	v19 =	vmin.f32 v19, v12;
	v11 =	vld.idx.msk [tilespmem:v6+s20+$0x0 ss:$0x1], $0xffff;
	v14 =	vmax.f32 v14, v16;
	v15 =	vmax.f32 v20, v13  }
0x37: {  	v12 =	vld.idx.msk [tilespmem:v6+s20+$0x80 ss:$0x1], $0xffff;
	v21 =	vmax.f32 v14, v17;
	v17 =	vmin.f32 v20, v13;
	v13 =	vmax.f32 v15, v7  }
0x38: {  	v14 =	vmin.f32 v13, v18;
	v16 =	vmax.f32 v13, v18;
	v13 =	vld.idx.msk [tilespmem:v6+s20+$0x100 ss:$0x1], $0xffff;
	v18 =	vmax.f32 v21, v19  }
0x39: {  	_ =	sdelay $0x1  }
0x3a: {  	v17 =	vmax.f32 v18, v17;
	v7 =	vmin.f32 v15, v7  }
0x3b: {  	v57 =	vmax.f32 v16, v9;
	v7 =	vmax.f32 v17, v7  }
0x3c: {  	v9 =	vmin.f32 v16, v9;
	v6 =	vld.idx.msk [tilespmem:v6+s20+$0x180 ss:$0x1], $0xffff;
	v58 =	vmax.f32 v57, v8;
	v7 =	vmax.f32 v7, v14  }
0x3d: {  	v8 =	vmin.f32 v57, v8;
	v7 =	vmax.f32 v7, v9;
	v9 =	vmax.f32 v58, v10  }
0x3e: {  	v10 =	vmin.f32 v58, v10;
	v7 =	vmax.f32 v7, v8;
	v8 =	vmax.f32 v9, v11  }
0x3f: {  	v9 =	vmin.f32 v9, v11;
	v7 =	vmax.f32 v7, v10;
	v10 =	vmax.f32 v8, v12  }
0x40: {  	v8 =	vmin.f32 v8, v12;
	v7 =	vmax.f32 v7, v9;
	v9 =	vmax.f32 v10, v13  }
0x41: {  	v7 =	vmax.f32 v7, v8;
	v8 =	vmin.f32 v9, v6;
	v6 =	vmax.f32 v9, v6;
	v9 =	vld [tilespmem:s19+$0xFFFFFE00];
	_ =	sdelay $0x4  }
0x42: {  	v9 =	vsub.f32 v9, v6;
	_ =	sdelay $0x1  }
0x43: {  	v9 =	vmul.f32 $1.442695020e+00, v9;
	_ =	sdelay $0x1  }
0x44: {  	(erf) = vpow2.f32 v9;
	_ =	sdelay $0x8  }
0x45: {  	s21 =	sadd.s32 $0x0, s17;
	v9 =	vpop (erf)  }
0x46: {  	s22 =	sor.u32 $0x80, s21;
	v10 =	vmin.f32 v10, v13;
	[tilespmem:s15+$0xFFFFFE00] =	vst v9  }
0x47: {  	v7 =	vmax.f32 v7, v10;
	v10 =	vld [tilespmem:s22+$0x0];
	_ =	sdelay $0x4  }
0x48: {  	v10 =	vsub.f32 v10, v6;
	_ =	sdelay $0x1  }
0x49: {  	v10 =	vmul.f32 $1.442695020e+00, v10;
	_ =	sdelay $0x1  }
0x4a: {  	(erf) = vpow2.f32 v10;
	_ =	sdelay $0x8  }
0x4b: {  	v10 =	vpop (erf)  }
0x4c: {  	[tilespmem:s22+$0x4100] =	vst v10  }
0x4d: {  	v11 =	vld [tilespmem:s19+$0xFFFFFF00];
	_ =	sdelay $0x4  }
0x4e: {  	v11 =	vsub.f32 v11, v6;
	_ =	sdelay $0x1  }
0x4f: {  	v11 =	vmul.f32 $1.442695020e+00, v11;
	_ =	sdelay $0x1  }
0x50: {  	(erf) = vpow2.f32 v11;
	_ =	sdelay $0x8  }
0x51: {  	v11 =	vpop (erf)  }
0x52: {  	s31 =	sor.u32 $0x180, s21;
	[tilespmem:s15+$0xFFFFFF00] =	vst v11  }
0x53: {  	v59 =	vld [tilespmem:s31+$0x0];
	_ =	sdelay $0x4  }
0x54: {  	v12 =	vsub.f32 v59, v6;
	_ =	sdelay $0x1  }
0x55: {  	v12 =	vmul.f32 $1.442695020e+00, v12;
	_ =	sdelay $0x1  }
0x56: {  	(erf) = vpow2.f32 v12;
	_ =	sdelay $0x8  }
0x57: {  	v12 =	vpop (erf)  }
0x58: {  	[tilespmem:s31+$0x4100] =	vst v12  }
0x59: {  	v60 =	vld [tilespmem:s19+$0x0];
	_ =	sdelay $0x4  }
0x5a: {  	v13 =	vsub.f32 v60, v6;
	_ =	sdelay $0x1  }
0x5b: {  	v13 =	vmul.f32 $1.442695020e+00, v13;
	_ =	sdelay $0x1  }
0x5c: {  	(erf) = vpow2.f32 v13;
	_ =	sdelay $0x8  }
0x5d: {  	v13 =	vpop (erf)  }
0x5e: {  	s21 =	sor.u32 $0x280, s21;
	[tilespmem:s15+$0x0] =	vst v13  }
0x5f: {  	v61 =	vld [tilespmem:s21+$0x0];
	_ =	sdelay $0x4  }
0x60: {  	v14 =	vsub.f32 v61, v6;
	_ =	sdelay $0x1  }
0x61: {  	v14 =	vmul.f32 $1.442695020e+00, v14;
	_ =	sdelay $0x1  }
0x62: {  	(erf) = vpow2.f32 v14;
	_ =	sdelay $0x8  }
0x63: {  	v14 =	vpop (erf)  }
0x64: {  	[tilespmem:s21+$0x4100] =	vst v14  }
0x65: {  	v62 =	vld [tilespmem:s19+$0x100];
	_ =	sdelay $0x4  }
0x66: {  	v15 =	vsub.f32 v62, v6;
	_ =	sdelay $0x1  }
0x67: {  	v15 =	vmul.f32 $1.442695020e+00, v15;
	_ =	sdelay $0x1  }
0x68: {  	(erf) = vpow2.f32 v15;
	_ =	sdelay $0x7  }
0x69: {  	s18 =	sor.u32 s16, s18  }
0x6a: {  	s30 =	simm.s32 $0x0;
	s18 =	sor.u32 $0x380, s18;
	v15 =	vpop (erf)  }
0x6b: {  	s23 =	sor.u32 s18, s30;
	[tilespmem:s15+$0x100] =	vst v15  }
0x6c: {  	v63 =	vld [tilespmem:s23+$0x0];
	_ =	sdelay $0x2  }
0x6d: {  	v7 =	vmax.f32 v7, v8;
	v8 =	vimm.f32 $0.0e+00  }
0x6e: {  	v8 =	vadd.f32 v9, v8  }
0x6f: {  	v16 =	vsub.f32 v63, v6  }
0x70: {  	v8 =	vadd.f32 v10, v8  }
0x71: {  	v9 =	vmul.f32 $1.442695020e+00, v16  }
0x72: {  	v8 =	vadd.f32 v11, v8  }
0x73: {  	(erf) = vpow2.f32 v9  }
0x74: {  	v8 =	vadd.f32 v12, v8;
	_ =	sdelay $0x1  }
0x75: {  	v8 =	vadd.f32 v13, v8;
	_ =	sdelay $0x1  }
0x76: {  	v8 =	vadd.f32 v14, v8;
	_ =	sdelay $0x2  }
0x77: {  	v9 =	vadd.f32 v15, v8  }
0x78: {  	s20 =	simm.s32 $0x800;
	s22 =	smov.u32 s19;
	s21 =	smov.u32 s15;
	v8 =	vpop (erf)  }
.LBB2_7:
0x79: {  	p0 =	sne.s32 s20, $0x3800;
	[tilespmem:s23+$0x4100] =	vst v8;
	v8 =	vadd.f32 v8, v9;
	s21 =	sadd.s32 $0x800, s21;
	s22 =	sadd.s32 $0x800, s22  }
0x7a: {  	s23 =	smov.u32 s20;
	s20 =	sadd.s32 $0x800, s20;
	v9 =	vld [tilespmem:s22+$0xFFFFFE00];
	_ =	sdelay $0x4  }
0x7b: {  	v9 =	vsub.f32 v9, v6;
	_ =	sdelay $0x1  }
0x7c: {  	v9 =	vmul.f32 $1.442695020e+00, v9;
	_ =	sdelay $0x1  }
0x7d: {  	(erf) = vpow2.f32 v9;
	_ =	sdelay $0x8  }
0x7e: {  	s24 =	sadd.s32 s23, s17;
	v9 =	vpop (erf)  }
0x7f: {  	s25 =	sor.u32 $0x80, s24;
	[tilespmem:s21+$0xFFFFFE00] =	vst v9  }
0x80: {  	v10 =	vld [tilespmem:s25+$0x0];
	_ =	sdelay $0x4  }
0x81: {  	v10 =	vsub.f32 v10, v6;
	_ =	sdelay $0x1  }
0x82: {  	v10 =	vmul.f32 $1.442695020e+00, v10;
	_ =	sdelay $0x1  }
0x83: {  	(erf) = vpow2.f32 v10;
	_ =	sdelay $0x8  }
0x84: {  	v10 =	vpop (erf)  }
0x85: {  	[tilespmem:s25+$0x4100] =	vst v10  }
0x86: {  	v11 =	vld [tilespmem:s22+$0xFFFFFF00];
	_ =	sdelay $0x4  }
0x87: {  	v11 =	vsub.f32 v11, v6;
	_ =	sdelay $0x1  }
0x88: {  	v11 =	vmul.f32 $1.442695020e+00, v11;
	_ =	sdelay $0x1  }
0x89: {  	(erf) = vpow2.f32 v11;
	_ =	sdelay $0x8  }
0x8a: {  	v11 =	vpop (erf)  }
0x8b: {  	s25 =	sor.u32 $0x180, s24;
	[tilespmem:s21+$0xFFFFFF00] =	vst v11  }
0x8c: {  	v12 =	vld [tilespmem:s25+$0x0];
	_ =	sdelay $0x4  }
0x8d: {  	v12 =	vsub.f32 v12, v6;
	_ =	sdelay $0x1  }
0x8e: {  	v12 =	vmul.f32 $1.442695020e+00, v12;
	_ =	sdelay $0x1  }
0x8f: {  	(erf) = vpow2.f32 v12;
	_ =	sdelay $0x8  }
0x90: {  	v12 =	vpop (erf)  }
0x91: {  	[tilespmem:s25+$0x4100] =	vst v12  }
0x92: {  	v13 =	vld [tilespmem:s22+$0x0];
	_ =	sdelay $0x4  }
0x93: {  	v13 =	vsub.f32 v13, v6;
	_ =	sdelay $0x1  }
0x94: {  	v13 =	vmul.f32 $1.442695020e+00, v13;
	_ =	sdelay $0x1  }
0x95: {  	(erf) = vpow2.f32 v13;
	_ =	sdelay $0x8  }
0x96: {  	v13 =	vpop (erf)  }
0x97: {  	s24 =	sor.u32 $0x280, s24;
	[tilespmem:s21+$0x0] =	vst v13  }
0x98: {  	v14 =	vld [tilespmem:s24+$0x0];
	_ =	sdelay $0x4  }
0x99: {  	v14 =	vsub.f32 v14, v6;
	_ =	sdelay $0x1  }
0x9a: {  	v14 =	vmul.f32 $1.442695020e+00, v14;
	_ =	sdelay $0x1  }
0x9b: {  	(erf) = vpow2.f32 v14;
	_ =	sdelay $0x8  }
0x9c: {  	v14 =	vpop (erf)  }
0x9d: {  	[tilespmem:s24+$0x4100] =	vst v14  }
0x9e: {  	v15 =	vld [tilespmem:s22+$0x100];
	_ =	sdelay $0x4  }
0x9f: {  	v15 =	vsub.f32 v15, v6;
	_ =	sdelay $0x1  }
0xa0: {  	v15 =	vmul.f32 $1.442695020e+00, v15;
	_ =	sdelay $0x1  }
0xa1: {  	(erf) = vpow2.f32 v15;
	_ =	sdelay $0x8  }
0xa2: {  	v15 =	vpop (erf)  }
0xa3: {  	s23 =	sor.u32 s18, s23;
	[tilespmem:s21+$0x100] =	vst v15  }
0xa4: {  	v16 =	vld [tilespmem:s23+$0x0];
	_ =	sdelay $0x4  }
0xa5: {  	v8 =	vadd.f32 v9, v8;
	v9 =	vsub.f32 v16, v6;
	_ =	sdelay $0x1  }
0xa6: {  	v8 =	vadd.f32 v10, v8;
	v9 =	vmul.f32 $1.442695020e+00, v9;
	_ =	sdelay $0x1  }
0xa7: {  	v8 =	vadd.f32 v11, v8;
	(erf) = vpow2.f32 v9;
	_ =	sdelay $0x1  }
0xa8: {  	v8 =	vadd.f32 v12, v8;
	_ =	sdelay $0x1  }
0xa9: {  	v8 =	vadd.f32 v13, v8  }
.Ltmp2:
0xaa: {  	(pc) =	sbr.rel @p0 .LBB2_7-.Ltmp2, $3  }
0xab: {  	v10 =	vadd.f32 v14, v8;
	_ =	sdelay $0x1  }
0xac: {  	v9 =	vadd.f32 v15, v10  }
0xad: {  	v8 =	vpop (erf)  }
0xae: {  	v10 =	vadd.f32 v8, v9;
	_ =	sdelay $0x1  }
0xaf: {  	vm0 =	vge.f32 v10, $2.718300100e+00  }
0xb0: {  	vm1 =	vge.f32 v10, $7.389100070e+00;
	v9 =	vsel vm0, $0x3FC00000, v2  }
0xb1: {  	vm15 =	vge.f32 v10, $2.008550070e+01;
	v9 =	vsel vm1, $0x40200000, v9  }
0xb2: {  	v9 =	vsel vm15, $0x40600000, v9  }
0xb3: {  	v11 =	vsub.f32 $0.0e+00, v9;
	_ =	sdelay $0x1  }
0xb4: {  	v11 =	vmul.f32 $1.442695020e+00, v11;
	_ =	sdelay $0x1  }
0xb5: {  	(erf) = vpow2.f32 v11;
	_ =	sdelay $0x8  }
0xb6: {  	v11 =	vpop (erf)  }
0xb7: {  	v9 =	vadd.f32 $-1.000000000e+00, v9;
	v11 =	vmul.f32 v11, v10;
	_ =	sdelay $0x1  }
0xb8: {  	v9 =	vadd.f32 v11, v9;
	_ =	sdelay $0x1  }
0xb9: {  	v11 =	vsub.f32 $0.0e+00, v9;
	_ =	sdelay $0x1  }
0xba: {  	v11 =	vmul.f32 $1.442695020e+00, v11;
	_ =	sdelay $0x1  }
0xbb: {  	(erf) = vpow2.f32 v11;
	_ =	sdelay $0x8  }
0xbc: {  	v11 =	vpop (erf)  }
0xbd: {  	v9 =	vadd.f32 $-1.000000000e+00, v9;
	v11 =	vmul.f32 v11, v10;
	_ =	sdelay $0x1  }
0xbe: {  	v9 =	vadd.f32 v11, v9;
	_ =	sdelay $0x1  }
0xbf: {  	v11 =	vsub.f32 $0.0e+00, v9;
	_ =	sdelay $0x1  }
0xc0: {  	v11 =	vmul.f32 $1.442695020e+00, v11;
	_ =	sdelay $0x1  }
0xc1: {  	(erf) = vpow2.f32 v11;
	_ =	sdelay $0x8  }
0xc2: {  	v11 =	vpop (erf)  }
0xc3: {  	v9 =	vadd.f32 $-1.000000000e+00, v9;
	v11 =	vmul.f32 v11, v10;
	_ =	sdelay $0x1  }
0xc4: {  	v9 =	vadd.f32 v11, v9;
	_ =	sdelay $0x1  }
0xc5: {  	v11 =	vsub.f32 $0.0e+00, v9;
	_ =	sdelay $0x1  }
0xc6: {  	v11 =	vmul.f32 $1.442695020e+00, v11;
	_ =	sdelay $0x1  }
0xc7: {  	(erf) = vpow2.f32 v11;
	_ =	sdelay $0x8  }
0xc8: {  	v11 =	vpop (erf)  }
0xc9: {  	v9 =	vadd.f32 $-1.000000000e+00, v9;
	v11 =	vmul.f32 v11, v10;
	_ =	sdelay $0x1  }
0xca: {  	v9 =	vadd.f32 v11, v9;
	_ =	sdelay $0x1  }
0xcb: {  	v11 =	vsub.f32 $0.0e+00, v9;
	_ =	sdelay $0x1  }
0xcc: {  	v11 =	vmul.f32 $1.442695020e+00, v11;
	_ =	sdelay $0x1  }
0xcd: {  	(erf) = vpow2.f32 v11;
	_ =	sdelay $0x8  }
0xce: {  	v11 =	vpop (erf)  }
0xcf: {  	[tilespmem:s23+$0x4100] =	vst v8;
	v8 =	vadd.f32 $-1.000000000e+00, v9;
	v9 =	vmul.f32 v11, v10  }
0xd0: {  	v11 =	vld [tilespmem:s19+$0xFFFFFE00]  }
0xd1: {  	v8 =	vadd.f32 v9, v8  }
0xd2: {  	s20 =	simm.s32 $0x0;
	v16 =	vld [tilespmem:s19+$0x0];
	(erf) = vrcp.f32 v10  }
0xd3: {  	s21 =	sadd.s32 $0x0, s17;
	s20 =	sor.u32 s18, s20;
	v14 =	vld [tilespmem:s19+$0x100];
	v8 =	vadd.f32 v8, v6  }
0xd4: {  	s22 =	sor.u32 $0x80, s21;
	v22 =	vld [tilespmem:s20+$0x0]  }
0xd5: {  	v19 =	vld [tilespmem:s22+$0x0];
	v9 =	vmul.f32 $1.200000050e+00, v8;
	v8 =	vmul.f32 $1.200000050e+00, v11  }
0xd6: {  	v13 =	vld [tilespmem:s15+$0x0]  }
0xd7: {  	v15 =	vld [tilespmem:s15+$0xFFFFFE00];
	v16 =	vmul.f32 $1.200000050e+00, v16;
	v8 =	vsub.f32 v8, v9  }
0xd8: {  	v18 =	vld [tilespmem:s22+$0x4100];
	v14 =	vmul.f32 $1.200000050e+00, v14  }
0xd9: {  	v22 =	vmul.f32 $1.200000050e+00, v22;
	v11 =	vld [tilespmem:s15+$0xFFFFFF00];
	v16 =	vsub.f32 v16, v9;
	v17 =	vmul.f32 $1.442695020e+00, v8  }
0xda: {  	s30 =	sor.u32 $0x180, s21;
	v12 =	vld [tilespmem:s20+$0x4100];
	v19 =	vmul.f32 $1.200000050e+00, v19;
	v14 =	vsub.f32 v14, v9  }
0xdb: {  	v22 =	vsub.f32 v22, v9;
	v16 =	vmul.f32 $1.442695020e+00, v16;
	v8 =	vpop (erf);
	(erf) = vpow2.f32 v17;
	v17 =	vld [tilespmem:s30+$0x0]  }
0xdc: {  	v21 =	vld [tilespmem:s19+$0xFFFFFF00];
	v14 =	vmul.f32 $1.442695020e+00, v14;
	v15 =	vmul.f32 v15, v8  }
0xdd: {  	v23 =	vld [tilespmem:s30+$0x4100];
	v22 =	vmul.f32 $1.442695020e+00, v22;
	v13 =	vmul.f32 v13, v8  }
0xde: {  	v11 =	vmul.f32 v11, v8;
	v18 =	vmul.f32 v18, v8;
	v15 =	vmax.f32 v15, $9.999999740e-06  }
0xdf: {  	v12 =	vmul.f32 v12, v8;
	v5 =	vadd.f32 v15, v5;
	v15 =	vsub.f32 v19, v9  }
0xe0: {  	s31 =	sor.u32 $0x280, s21;
	(erf) = vpow2.f32 v16;
	v17 =	vmul.f32 $1.200000050e+00, v17  }
0xe1: {  	v20 =	vimm.f32 $0.0e+00;
	v19 =	vmul.f32 $1.200000050e+00, v21;
	v21 =	vld [tilespmem:s31+$0x0];
	v15 =	vmul.f32 $1.442695020e+00, v15  }
0xe2: {  	v24 =	vld [tilespmem:s31+$0x4100];
	s20 =	sadd.s32 $0x800, s19;
	v23 =	vmul.f32 v23, v8;
	v18 =	vmax.f32 v18, $9.999999740e-06;
	v17 =	vsub.f32 v17, v9  }
0xe3: {  	v25 =	vld [tilespmem:s20+$0xFFFFFE00];
	v5 =	vadd.f32 v18, v5;
	v19 =	vsub.f32 v19, v9;
	(erf) = vpow2.f32 v15  }
0xe4: {  	v16 =	vld [tilespmem:s15+$0x100];
	v11 =	vmax.f32 v11, $9.999999740e-06;
	v12 =	vmax.f32 v12, $9.999999740e-06;
	v17 =	vmul.f32 $1.442695020e+00, v17  }
0xe5: {  	s26 =	sadd.s32 $0x800, s15;
	s29 =	sadd.s32 $0x800, s17;
	v5 =	vadd.f32 v11, v5;
	v11 =	vmul.f32 $1.442695020e+00, v19;
	v15 =	vmax.f32 v23, $9.999999740e-06;
	v18 =	vpop (erf)  }
0xe6: {  	s30 =	sor.u32 $0x80, s29;
	v19 =	vld [tilespmem:s26+$0x0];
	v18 =	vmax.f32 v18, $9.999999970e-07;
	(erf) = vpow2.f32 v17;
	v17 =	vmul.f32 $1.200000050e+00, v21  }
0xe7: {  	v26 =	vld [tilespmem:s30+$0x0];
	v5 =	vadd.f32 v15, v5;
	v15 =	vmul.f32 v24, v8;
	(erf) = vpow2.f32 v11  }
0xe8: {  	v21 =	vld [tilespmem:s26+$0xFFFFFF00];
	v11 =	vmax.f32 v13, $9.999999740e-06;
	v13 =	vsub.f32 v17, v9;
	v17 =	vmul.f32 $1.200000050e+00, v25  }
0xe9: {  	v18 =	vadd.f32 v18, v20;
	v5 =	vadd.f32 v11, v5;
	v11 =	vmul.f32 v16, v8;
	v16 =	vld [tilespmem:s20+$0x100]  }
0xea: {  	v23 =	vld [tilespmem:s26+$0xFFFFFE00];
	v15 =	vmax.f32 v15, $9.999999740e-06;
	v13 =	vmul.f32 $1.442695020e+00, v13;
	v17 =	vsub.f32 v17, v9  }
0xeb: {  	(erf) = vpow2.f32 v14;
	v14 =	vpop (erf);
	v15 =	vadd.f32 v15, v5;
	v5 =	vmul.f32 v19, v8;
	v19 =	vld [tilespmem:s20+$0x0]  }
0xec: {  	v11 =	vmax.f32 v11, $9.999999740e-06;
	v17 =	vmul.f32 $1.442695020e+00, v17;
	v20 =	vpop (erf);
	(erf) = vpow2.f32 v13;
	v13 =	vld [tilespmem:s30+$0x4100]  }
0xed: {  	v21 =	vmul.f32 v21, v8;
	v11 =	vadd.f32 v11, v15;
	v20 =	vmax.f32 v20, $9.999999970e-07  }
0xee: {  	s28 =	simm.s32 $0x800;
	s24 =	sor.u32 $0x180, s29;
	v25 =	vmax.f32 v14, $9.999999970e-07;
	v16 =	vmul.f32 $1.200000050e+00, v16;
	(erf) = vpow2.f32 v17  }
0xef: {  	s21 =	sor.u32 s18, s28;
	v17 =	vmul.f32 v23, v8;
	v23 =	vld [tilespmem:s24+$0x0];
	v11 =	vadd.f32 v12, v11;
	v12 =	vmul.f32 $1.200000050e+00, v26;
	v14 =	vpop (erf)  }
0xf0: {  	v24 =	vld [tilespmem:s21+$0x4100];
	v18 =	vadd.f32 v20, v18;
	(erf) = vpow2.f32 v22;
	v19 =	vmul.f32 $1.200000050e+00, v19;
	v20 =	vpop (erf)  }
0xf1: {  	v15 =	vsub.f32 v16, v9;
	v16 =	vmax.f32 v20, $9.999999970e-07;
	v20 =	vld [tilespmem:s20+$0xFFFFFF00];
	v22 =	vmul.f32 v13, v8  }
0xf2: {  	v19 =	vsub.f32 v19, v9;
	v16 =	vadd.f32 v16, v18;
	v18 =	vmax.f32 v14, $9.999999970e-07  }
0xf3: {  	v17 =	vmax.f32 v17, $9.999999740e-06;
	v12 =	vsub.f32 v12, v9;
	v14 =	vmax.f32 v21, $9.999999740e-06  }
0xf4: {  	v21 =	vmax.f32 v22, $9.999999740e-06;
	v22 =	vmul.f32 $1.200000050e+00, v23;
	v23 =	vld [tilespmem:s21+$0x0];
	v16 =	vadd.f32 v18, v16  }
0xf5: {  	v26 =	vld [tilespmem:s24+$0x4100];
	v13 =	vmul.f32 v24, v8;
	v17 =	vadd.f32 v17, v11;
	v11 =	vmul.f32 $1.442695020e+00, v19;
	v18 =	vpop (erf)  }
0xf6: {  	v19 =	vpop (erf);
	v27 =	vmul.f32 $1.200000050e+00, v20;
	v20 =	vsub.f32 v22, v9;
	v24 =	vadd.f32 v25, v16  }
0xf7: {  	s31 =	sor.u32 $0x280, s29;
	(erf) = vpow2.f32 v11;
	v28 =	vmax.f32 v18, $9.999999970e-07;
	v19 =	vmax.f32 v19, $9.999999970e-07  }
0xf8: {  	v18 =	vadd.f32 v21, v17;
	v29 =	vadd.f32 v19, v24;
	v21 =	vmul.f32 $1.442695020e+00, v20;
	v20 =	vld [tilespmem:s31+$0x0]  }
0xf9: {  	v22 =	vmul.f32 $1.442695020e+00, v12;
	v12 =	vld [tilespmem:s31+$0x4100];
	v16 =	vpop (erf);
	v17 =	vmul.f32 $1.200000050e+00, v23;
	v25 =	vsub.f32 v27, v9  }
0xfa: {  	s25 =	simm.s32 $0x1000;
	s19 =	sadd.s32 $0x800, s20;
	s20 =	sadd.s32 $0x800, s26;
	v11 =	vld [tilespmem:s26+$0x100];
	v19 =	vmul.f32 v26, v8;
	v16 =	vmax.f32 v16, $9.999999970e-07;
	v24 =	vpop (erf);
	v23 =	vadd.f32 v28, v29  }
.LBB2_9:
0xfb: {  	v26 =	vld [tilespmem:s19+$0xFFFFFE00];
	s21 =	sadd.s32 s25, s17;
	s23 =	sor.u32 s18, s25;
	v15 =	vmul.f32 $1.442695020e+00, v15;
	(erf) = vpow2.f32 v22;
	v22 =	vmax.f32 v24, $9.999999970e-07;
	s22 =	smov.u32 s25  }
0xfc: {  	v14 =	vadd.f32 v14, v18;
	s26 =	sor.u32 $0x80, s21;
	s24 =	sor.u32 $0x180, s21;
	s22 =	sor.u32 $0x280, s21;
	v24 =	vld [tilespmem:s23+$0x4100];
	v18 =	vmul.f32 $1.442695020e+00, v25;
	(erf) = vpow2.f32 v21  }
0xfd: {  	s21 =	sadd.s32 $0x800, s25;
	v19 =	vmax.f32 v19, $9.999999740e-06;
	v22 =	vadd.f32 v22, v23;
	v21 =	vld [tilespmem:s20+$0x100];
	v20 =	vmul.f32 $1.200000050e+00, v20  }
0xfe: {  	p0 =	sne.s32 s25, $0x3800;
	v14 =	vadd.f32 v19, v14;
	v19 =	vmul.f32 v12, v8;
	v23 =	vld [tilespmem:s20+$0x0];
	(erf) = vpow2.f32 v18  }
0xff: {  	v5 =	vmax.f32 v5, $9.999999740e-06;
	v12 =	vld [tilespmem:s22+$0x4100];
	v18 =	vsub.f32 v20, v9;
	v20 =	vmax.f32 v13, $9.999999740e-06  }
0x100: {  	v5 =	vadd.f32 v5, v14;
	v14 =	vmul.f32 v11, v8;
	v13 =	vmul.f32 $1.200000050e+00, v26;
	v25 =	vld [tilespmem:s20+$0xFFFFFF00];
	v26 =	vpop (erf)  }
0x101: {  	v17 =	vsub.f32 v17, v9;
	v29 =	vmax.f32 v19, $9.999999740e-06;
	v27 =	vld [tilespmem:s19+$0x100];
	v18 =	vmul.f32 $1.442695020e+00, v18  }
0x102: {  	v28 =	vadd.f32 v29, v5;
	v19 =	vld [tilespmem:s20+$0xFFFFFE00];
	v13 =	vsub.f32 v13, v9;
	(erf) = vpow2.f32 v15;
	v11 =	vmovc v21  }
0x103: {  	v17 =	vmul.f32 $1.442695020e+00, v17;
	v14 =	vmax.f32 v14, $9.999999740e-06;
	v5 =	vmul.f32 v23, v8;
	v15 =	vld [tilespmem:s19+$0x0]  }
0x104: {  	v16 =	vadd.f32 v16, v22;
	v13 =	vmul.f32 $1.442695020e+00, v13;
	v21 =	vld [tilespmem:s26+$0x4100];
	v22 =	vpop (erf);
	(erf) = vpow2.f32 v18  }
0x105: {  	v18 =	vmul.f32 v25, v8;
	v23 =	vld [tilespmem:s19+$0xFFFFFF00];
	v30 =	vmax.f32 v22, $9.999999970e-07;
	v25 =	vmax.f32 v26, $9.999999970e-07;
	v26 =	vpop (erf)  }
0x106: {  	v14 =	vadd.f32 v14, v28;
	v29 =	vld [tilespmem:s26+$0x0];
	v27 =	vmul.f32 $1.200000050e+00, v27;
	(erf) = vpow2.f32 v13  }
0x107: {  	v16 =	vadd.f32 v30, v16;
	v13 =	vmul.f32 v19, v8;
	v19 =	vld [tilespmem:s24+$0x0];
	v22 =	vpop (erf);
	(erf) = vpow2.f32 v17  }
0x108: {  	v17 =	vmul.f32 $1.200000050e+00, v15;
	v15 =	vsub.f32 v27, v9;
	v22 =	vmax.f32 v22, $9.999999970e-07  }
0x109: {  	v27 =	vmax.f32 v13, $9.999999740e-06;
	v16 =	vadd.f32 v22, v16;
	v22 =	vmax.f32 v26, $9.999999970e-07  }
0x10a: {  	v20 =	vadd.f32 v20, v14;
	v21 =	vmul.f32 v21, v8;
	v13 =	vmul.f32 v24, v8  }
0x10b: {  	v14 =	vmax.f32 v18, $9.999999740e-06;
	v17 =	vsub.f32 v17, v9;
	v24 =	vmul.f32 $1.200000050e+00, v29;
	v18 =	vpop (erf)  }
0x10c: {  	v21 =	vmax.f32 v21, $9.999999740e-06;
	v29 =	vadd.f32 v22, v16;
	v19 =	vmul.f32 $1.200000050e+00, v19;
	v26 =	vld [tilespmem:s23+$0x0]  }
0x10d: {  	v27 =	vadd.f32 v27, v20;
	v17 =	vmul.f32 $1.442695020e+00, v17;
	v20 =	vsub.f32 v24, v9;
	v28 =	vld [tilespmem:s24+$0x4100];
	v22 =	vpop (erf)  }
.Ltmp3:
0x10e: {  	v23 =	vmul.f32 $1.200000050e+00, v23;
	v25 =	vadd.f32 v25, v29;
	v19 =	vsub.f32 v19, v9;
	(pc) =	sbr.rel @p0 .LBB2_9-.Ltmp3, $4  }
0x10f: {  	v29 =	vmax.f32 v18, $9.999999970e-07;
	v16 =	vpop (erf);
	(erf) = vpow2.f32 v17;
	v17 =	vmax.f32 v22, $9.999999970e-07  }
0x110: {  	v22 =	vmul.f32 $1.442695020e+00, v20;
	v16 =	vmax.f32 v16, $9.999999970e-07;
	v20 =	vld [tilespmem:s22+$0x0];
	v30 =	vadd.f32 v17, v25;
	v24 =	vpop (erf)  }
0x111: {  	v18 =	vadd.f32 v21, v27;
	v21 =	vmul.f32 $1.442695020e+00, v19;
	v17 =	vmul.f32 $1.200000050e+00, v26  }
0x112: {  	s25 =	smov.u32 s21;
	s20 =	sadd.s32 $0x800, s20;
	s19 =	sadd.s32 $0x800, s19;
	v25 =	vsub.f32 v23, v9;
	v19 =	vmul.f32 v28, v8;
	v23 =	vadd.f32 v29, v30  }
0x113: {  	_ = 	snop  }
0x114: {  	(erf) = vpow2.f32 v22;
	v56 =	vmul.f32 $1.442695020e+00, v25  }
0x115: {  	(erf) = vpow2.f32 v21  }
0x116: {  	v20 =	vmul.f32 $1.200000050e+00, v20;
	(erf) = vpow2.f32 v56;
	_ =	sdelay $0x1  }
0x117: {  	v15 =	vmul.f32 $1.442695020e+00, v15;
	v20 =	vsub.f32 v20, v9;
	_ =	sdelay $0x1  }
0x118: {  	v57 =	vmax.f32 v24, $9.999999970e-07;
	v20 =	vmul.f32 $1.442695020e+00, v20  }
0x119: {  	v21 =	vadd.f32 v57, v23;
	(erf) = vpow2.f32 v15;
	v9 =	vsub.f32 v17, v9  }
0x11a: {  	v15 =	vpop (erf);
	(erf) = vpow2.f32 v20  }
0x11b: {  	v16 =	vadd.f32 v16, v21;
	v9 =	vmul.f32 $1.442695020e+00, v9;
	v58 =	vpop (erf)  }
0x11c: {  	v17 =	vmax.f32 v58, $9.999999970e-07;
	v59 =	vpop (erf)  }
0x11d: {  	(erf) = vpow2.f32 v9;
	v16 =	vadd.f32 v17, v16;
	v60 =	vpop (erf)  }
0x11e: {  	v14 =	vadd.f32 v14, v18;
	v9 =	vmax.f32 v60, $9.999999970e-07  }
0x11f: {  	v61 =	vmax.f32 v19, $9.999999740e-06;
	v9 =	vadd.f32 v9, v16  }
0x120: {  	v14 =	vadd.f32 v61, v14;
	v62 =	vmax.f32 v59, $9.999999970e-07  }
0x121: {  	v12 =	vmul.f32 v12, v8;
	v5 =	vmax.f32 v5, $9.999999740e-06;
	v9 =	vadd.f32 v62, v9  }
0x122: {  	v5 =	vadd.f32 v5, v14;
	v14 =	vmax.f32 v15, $9.999999970e-07;
	v15 =	vpop (erf)  }
0x123: {  	v11 =	vmul.f32 v11, v8;
	v12 =	vmax.f32 v12, $9.999999740e-06;
	v63 =	vpop (erf);
	v9 =	vadd.f32 v14, v9  }
0x124: {  	v5 =	vadd.f32 v12, v5;
	v12 =	vmax.f32 v63, $9.999999970e-07  }
0x125: {  	v11 =	vmax.f32 v11, $9.999999740e-06;
	v9 =	vadd.f32 v12, v9  }
0x126: {  	v5 =	vadd.f32 v11, v5;
	v11 =	vmax.f32 v15, $9.999999970e-07;
	v12 =	vmax.f32 v13, $9.999999740e-06;
	v13 =	vpop (erf)  }
0x127: {  	v9 =	vadd.f32 v11, v9;
	v11 =	vmax.f32 v13, $9.999999970e-07;
	v13 =	vmov s15;
	_ =	sdelay $0x2  }
0x128: {  	v14 =	vimm.f32 $0.0e+00;
	v5 =	vadd.f32 v12, v5;
	v12 =	vimm.f32 $0.0e+00  }
0x129: {  	s17 =	simm.s32 $0x0;
	v9 =	vadd.f32 v11, v9;
	v11 =	vmul.f32 $7.500000000e-01, v10;
	v10 =	vimm.f32 $2.000000000e+00  }
.LBB2_11:
0x12a: {  	_ =	sdelay $0x2  }
0x12b: {  	s18 =	simm.s32 $0x0  }
0x12c: {  	v16 =	vld.idx.msk [tilespmem:v13+s18+$0xFFFFFE00 ss:$0x1], $0xffff  }
0x12d: {  	v15 =	vadd.f32 v10, v14  }
0x12e: {  	v17 =	vld.idx.msk [tilespmem:v13+s18+$0xFFFFFE80 ss:$0x1], $0xffff  }
0x12f: {  	v15 =	vmul.f32 $5.000000000e-01, v15  }
0x130: {  	v18 =	vld.idx.msk [tilespmem:v13+s18+$0xFFFFFF00 ss:$0x1], $0xffff  }
0x131: {  	vm0 =	vge.f32 v16, v15  }
0x132: {  	v19 =	vld.idx.msk [tilespmem:v13+s18+$0xFFFFFF80 ss:$0x1], $0xffff;
	v16 =	vnsel vm0, $0x0, v16  }
0x133: {  	vm12 =	vge.f32 v17, v15;
	v16 =	vadd.f32 v16, v12  }
0x134: {  	v20 =	vld.idx.msk [tilespmem:v13+s18+$0x0 ss:$0x1], $0xffff;
	v17 =	vnsel vm12, $0x0, v17  }
0x135: {  	vm13 =	vge.f32 v18, v15;
	v16 =	vadd.f32 v17, v16  }
0x136: {  	v17 =	vnsel vm13, $0x0, v18;
	v18 =	vld.idx.msk [tilespmem:v13+s18+$0x80 ss:$0x1], $0xffff  }
0x137: {  	vm14 =	vge.f32 v19, v15;
	v17 =	vadd.f32 v17, v16  }
0x138: {  	v19 =	vnsel vm14, $0x0, v19;
	v16 =	vld.idx.msk [tilespmem:v13+s18+$0x100 ss:$0x1], $0xffff  }
0x139: {  	vm15 =	vge.f32 v20, v15;
	v19 =	vadd.f32 v19, v17  }
0x13a: {  	s19 =	simm.s32 $0x4000;
	v20 =	vnsel vm15, $0x0, v20;
	v17 =	vld.idx.msk [tilespmem:v13+s18+$0x180 ss:$0x1], $0xffff;
	s18 =	simm.s32 $0x800  }
.LBB2_12:
0x13b: {  	p0 =	sne.s32 s19, $0xE000;
	v21 =	vld.idx.msk [tilespmem:v13+s18+$0xFFFFFE00 ss:$0x1], $0xffff;
	v19 =	vadd.f32 v20, v19;
	vm0 =	vge.f32 v18, v15  }
0x13c: {  	v18 =	vnsel vm0, $0x0, v18  }
0x13d: {  	vm0 =	vge.f32 v16, v15;
	v20 =	vld.idx.msk [tilespmem:v13+s18+$0xFFFFFE80 ss:$0x1], $0xffff;
	v18 =	vadd.f32 v18, v19  }
0x13e: {  	v16 =	vnsel vm0, $0x0, v16  }
0x13f: {  	vm0 =	vge.f32 v17, v15;
	v19 =	vld.idx.msk [tilespmem:v13+s18+$0xFFFFFF00 ss:$0x1], $0xffff;
	v16 =	vadd.f32 v16, v18  }
0x140: {  	v17 =	vnsel vm0, $0x0, v17  }
0x141: {  	vm0 =	vge.f32 v21, v15;
	v22 =	vld.idx.msk [tilespmem:v13+s18+$0xFFFFFF80 ss:$0x1], $0xffff;
	v16 =	vadd.f32 v17, v16  }
0x142: {  	v17 =	vnsel vm0, $0x0, v21  }
0x143: {  	vm0 =	vge.f32 v20, v15;
	v16 =	vadd.f32 v17, v16;
	v21 =	vld.idx.msk [tilespmem:v13+s18+$0x0 ss:$0x1], $0xffff  }
0x144: {  	v17 =	vnsel vm0, $0x0, v20  }
0x145: {  	vm0 =	vge.f32 v19, v15;
	v16 =	vadd.f32 v17, v16;
	v18 =	vld.idx.msk [tilespmem:v13+s18+$0x80 ss:$0x1], $0xffff  }
.Ltmp4:
0x146: {  	v17 =	vnsel vm0, $0x0, v19;
	(pc) =	sbr.rel @p0 .LBB2_12-.Ltmp4, $4  }
0x147: {  	vm0 =	vge.f32 v22, v15;
	v17 =	vadd.f32 v17, v16;
	v16 =	vld.idx.msk [tilespmem:v13+s18+$0x100 ss:$0x1], $0xffff  }
0x148: {  	v19 =	vnsel vm0, $0x0, v22  }
0x149: {  	vm0 =	vge.f32 v21, v15;
	v19 =	vadd.f32 v19, v17;
	v17 =	vld.idx.msk [tilespmem:v13+s18+$0x180 ss:$0x1], $0xffff  }
0x14a: {  	s18 =	sshra.s32 s19, $0x2;
	s19 =	sadd.s32 $0x2000, s19;
	v20 =	vnsel vm0, $0x0, v21  }
0x14b: {  	_ =	sdelay $0x2  }
0x14c: {  	v19 =	vadd.f32 v20, v19;
	vm0 =	vge.f32 v18, v15  }
0x14d: {  	v56 =	vld.idx.msk [tilespmem:v13+s18+$0xFFFFFE00 ss:$0x1], $0xffff;
	v18 =	vnsel vm0, $0x0, v18  }
0x14e: {  	vm5 =	vge.f32 v16, v15;
	v18 =	vadd.f32 v18, v19  }
0x14f: {  	v57 =	vld.idx.msk [tilespmem:v13+s18+$0xFFFFFE80 ss:$0x1], $0xffff;
	v16 =	vnsel vm5, $0x0, v16  }
0x150: {  	vm6 =	vge.f32 v17, v15;
	v16 =	vadd.f32 v16, v18  }
0x151: {  	v58 =	vld.idx.msk [tilespmem:v13+s18+$0xFFFFFF00 ss:$0x1], $0xffff;
	v17 =	vnsel vm6, $0x0, v17  }
0x152: {  	vm7 =	vge.f32 v56, v15;
	v16 =	vadd.f32 v17, v16  }
0x153: {  	v59 =	vld.idx.msk [tilespmem:v13+s18+$0xFFFFFF80 ss:$0x1], $0xffff;
	v20 =	vnsel vm7, $0x0, v56  }
0x154: {  	vm8 =	vge.f32 v57, v15;
	v16 =	vadd.f32 v20, v16  }
0x155: {  	v60 =	vld.idx.msk [tilespmem:v13+s18+$0x0 ss:$0x1], $0xffff;
	v19 =	vnsel vm8, $0x0, v57  }
0x156: {  	vm9 =	vge.f32 v58, v15;
	v16 =	vadd.f32 v19, v16  }
0x157: {  	v61 =	vld.idx.msk [tilespmem:v13+s18+$0x80 ss:$0x1], $0xffff;
	v18 =	vnsel vm9, $0x0, v58  }
0x158: {  	vm10 =	vge.f32 v59, v15;
	v16 =	vadd.f32 v18, v16  }
0x159: {  	v62 =	vld.idx.msk [tilespmem:v13+s18+$0x100 ss:$0x1], $0xffff;
	v17 =	vnsel vm10, $0x0, v59  }
0x15a: {  	vm11 =	vge.f32 v60, v15;
	v16 =	vadd.f32 v17, v16  }
0x15b: {  	v63 =	vld.idx.msk [tilespmem:v13+s18+$0x180 ss:$0x1], $0xffff;
	v20 =	vnsel vm11, $0x0, v60  }
0x15c: {  	vm12 =	vge.f32 v61, v15;
	v16 =	vadd.f32 v20, v16  }
0x15d: {  	v19 =	vnsel vm12, $0x0, v61  }
0x15e: {  	vm13 =	vge.f32 v62, v15;
	v16 =	vadd.f32 v19, v16  }
0x15f: {  	s17 =	sadd.s32 $0x1, s17;
	v18 =	vnsel vm13, $0x0, v62  }
0x160: {  	p0 =	sne.s32 s17, $0x10;
	vm14 =	vge.f32 v63, v15;
	v16 =	vadd.f32 v18, v16  }
.Ltmp5:
0x161: {  	v17 =	vnsel vm14, $0x0, v63;
	(pc) =	sbr.rel @p0 .LBB2_11-.Ltmp5, $3  }
0x162: {  	v16 =	vadd.f32 v17, v16;
	_ =	sdelay $0x1  }
0x163: {  	vm15 =	vle.f32 v16, v11  }
0x164: {  	v14 =	vsel vm15, v14, v15;
	v10 =	vsel vm15, v15, v10  }
0x165: {  	v6 =	vsub.f32 v7, v6;
	_ =	sdelay $0x1  }
0x166: {  	v6 =	vmul.f32 $1.442695020e+00, v6;
	_ =	sdelay $0x1  }
0x167: {  	(erf) = vpow2.f32 v6;
	_ =	sdelay $0x4  }
0x168: {  	v11 =	vld [tilespmem:s15+$0xFFFFFE00]  }
0x169: {  	v6 =	vld [tilespmem:s16+$0x4000]  }
0x16a: {  	v12 =	vsub.f32 $1.000000000e+00, v9;
	_ =	sdelay $0x1  }
0x16b: {  	v12 =	vmul.f32 v12, v0;
	v7 =	vpop (erf)  }
0x16c: {  	vm2 =	vge.f32 v11, v10;
	vm1 =	vge.f32 v11, v7  }
0x16d: {  	vm0 =	vge.f32 v12, $2.500000000e+00;
	v8 =	vmul.f32 v6, v8;
	vm1 =	vmor vm1, vm2  }
0x16e: {  	vm1 =	vmor vm0, vm1  }
0x16f: {  	v56 =	vmul.f32 v11, v8;
	v11 =	vnsel vm1, $0x0, v11  }
0x170: {  	s16 =	simm.s32 $0x0;
	v11 =	vmul.f32 v11, v8  }
0x171: {  	[tilespmem:s16+$0xA100] =	vst.add.f32.msk $0xffff, v56  }
0x172: {  	[tilespmem:s16+$0x8100] =	vst.add.f32.msk $0xffff, v11  }
0x173: {  	v11 =	vld [tilespmem:s15+$0xFFFFFE80];
	_ =	sdelay $0x4  }
0x174: {  	vm1 =	vge.f32 v11, v7;
	vm2 =	vge.f32 v11, v10  }
0x175: {  	vm1 =	vmor vm1, vm2  }
0x176: {  	vm1 =	vmor vm0, vm1  }
0x177: {  	v57 =	vmul.f32 v11, v8;
	v11 =	vnsel vm1, $0x0, v11  }
0x178: {  	v11 =	vmul.f32 v11, v8  }
0x179: {  	[tilespmem:s16+$0xA180] =	vst.add.f32.msk $0xffff, v57  }
0x17a: {  	[tilespmem:s16+$0x8180] =	vst.add.f32.msk $0xffff, v11  }
0x17b: {  	v11 =	vld [tilespmem:s15+$0xFFFFFF00];
	_ =	sdelay $0x4  }
0x17c: {  	vm1 =	vge.f32 v11, v7;
	vm2 =	vge.f32 v11, v10  }
0x17d: {  	vm1 =	vmor vm1, vm2  }
0x17e: {  	vm1 =	vmor vm0, vm1  }
0x17f: {  	v58 =	vmul.f32 v11, v8;
	v11 =	vnsel vm1, $0x0, v11  }
0x180: {  	v11 =	vmul.f32 v11, v8  }
0x181: {  	[tilespmem:s16+$0xA200] =	vst.add.f32.msk $0xffff, v58  }
0x182: {  	[tilespmem:s16+$0x8200] =	vst.add.f32.msk $0xffff, v11  }
0x183: {  	v11 =	vld [tilespmem:s15+$0xFFFFFF80];
	_ =	sdelay $0x4  }
0x184: {  	vm1 =	vge.f32 v11, v7;
	vm2 =	vge.f32 v11, v10  }
0x185: {  	vm1 =	vmor vm1, vm2  }
0x186: {  	vm1 =	vmor vm0, vm1  }
0x187: {  	v59 =	vmul.f32 v11, v8;
	v11 =	vnsel vm1, $0x0, v11  }
0x188: {  	v11 =	vmul.f32 v11, v8  }
0x189: {  	[tilespmem:s16+$0xA280] =	vst.add.f32.msk $0xffff, v59  }
0x18a: {  	[tilespmem:s16+$0x8280] =	vst.add.f32.msk $0xffff, v11  }
0x18b: {  	v11 =	vld [tilespmem:s15+$0x0];
	_ =	sdelay $0x4  }
0x18c: {  	vm1 =	vge.f32 v11, v7;
	vm2 =	vge.f32 v11, v10  }
0x18d: {  	vm1 =	vmor vm1, vm2  }
0x18e: {  	vm1 =	vmor vm0, vm1  }
0x18f: {  	v60 =	vmul.f32 v11, v8;
	v11 =	vnsel vm1, $0x0, v11  }
0x190: {  	v11 =	vmul.f32 v11, v8  }
0x191: {  	[tilespmem:s16+$0xA300] =	vst.add.f32.msk $0xffff, v60  }
0x192: {  	[tilespmem:s16+$0x8300] =	vst.add.f32.msk $0xffff, v11  }
0x193: {  	v11 =	vld [tilespmem:s15+$0x80];
	_ =	sdelay $0x4  }
0x194: {  	vm1 =	vge.f32 v11, v7;
	vm2 =	vge.f32 v11, v10  }
0x195: {  	vm1 =	vmor vm1, vm2  }
0x196: {  	vm1 =	vmor vm0, vm1  }
0x197: {  	v61 =	vmul.f32 v11, v8;
	v11 =	vnsel vm1, $0x0, v11  }
0x198: {  	v11 =	vmul.f32 v11, v8  }
0x199: {  	[tilespmem:s16+$0xA380] =	vst.add.f32.msk $0xffff, v61  }
0x19a: {  	[tilespmem:s16+$0x8380] =	vst.add.f32.msk $0xffff, v11  }
0x19b: {  	v11 =	vld [tilespmem:s15+$0x100];
	_ =	sdelay $0x4  }
0x19c: {  	vm1 =	vge.f32 v11, v7;
	vm2 =	vge.f32 v11, v10  }
0x19d: {  	vm1 =	vmor vm1, vm2  }
0x19e: {  	vm1 =	vmor vm0, vm1  }
0x19f: {  	v62 =	vmul.f32 v11, v8;
	v11 =	vnsel vm1, $0x0, v11  }
0x1a0: {  	v11 =	vmul.f32 v11, v8  }
0x1a1: {  	[tilespmem:s16+$0xA400] =	vst.add.f32.msk $0xffff, v62  }
0x1a2: {  	[tilespmem:s16+$0x8400] =	vst.add.f32.msk $0xffff, v11  }
0x1a3: {  	v11 =	vld [tilespmem:s15+$0x180];
	_ =	sdelay $0x4  }
0x1a4: {  	vm1 =	vge.f32 v11, v7;
	vm2 =	vge.f32 v11, v10  }
0x1a5: {  	vm1 =	vmor vm1, vm2  }
0x1a6: {  	v63 =	vmul.f32 v11, v8;
	vm1 =	vmor vm0, vm1  }
0x1a7: {  	v11 =	vnsel vm1, $0x0, v11  }
0x1a8: {  	s17 =	simm.s32 $0x1000;
	[tilespmem:s16+$0xA480] =	vst.add.f32.msk $0xffff, v63;
	v11 =	vmul.f32 v11, v8  }
.LBB2_15:
0x1a9: {  	p0 =	sne.s32 s17, $0x7000  }
0x1aa: {  	s15 =	sadd.s32 $0x800, s15;
	[tilespmem:s16+$0x8480] =	vst.add.f32.msk $0xffff, v11;
	s16 =	smov.u32 s17;
	s17 =	sadd.s32 $0x1000, s17  }
0x1ab: {  	v11 =	vld [tilespmem:s15+$0xFFFFFE00];
	_ =	sdelay $0x4  }
0x1ac: {  	vm1 =	vge.f32 v11, v7;
	vm2 =	vge.f32 v11, v10;
	v12 =	vmul.f32 v11, v8  }
0x1ad: {  	vm1 =	vmor vm1, vm2  }
0x1ae: {  	vm1 =	vmor vm0, vm1  }
0x1af: {  	v11 =	vnsel vm1, $0x0, v11  }
0x1b0: {  	s16 =	sshra.s32 s16, $0x2;
	v11 =	vmul.f32 v11, v8  }
0x1b1: {  	[tilespmem:s16+$0xA100] =	vst.add.f32.msk $0xffff, v12  }
0x1b2: {  	[tilespmem:s16+$0x8100] =	vst.add.f32.msk $0xffff, v11  }
0x1b3: {  	v11 =	vld [tilespmem:s15+$0xFFFFFE80];
	_ =	sdelay $0x4  }
0x1b4: {  	vm1 =	vge.f32 v11, v7;
	vm2 =	vge.f32 v11, v10;
	v12 =	vmul.f32 v11, v8  }
0x1b5: {  	vm1 =	vmor vm1, vm2  }
0x1b6: {  	vm1 =	vmor vm0, vm1  }
0x1b7: {  	v11 =	vnsel vm1, $0x0, v11  }
0x1b8: {  	v11 =	vmul.f32 v11, v8  }
0x1b9: {  	[tilespmem:s16+$0xA180] =	vst.add.f32.msk $0xffff, v12  }
0x1ba: {  	[tilespmem:s16+$0x8180] =	vst.add.f32.msk $0xffff, v11  }
0x1bb: {  	v11 =	vld [tilespmem:s15+$0xFFFFFF00];
	_ =	sdelay $0x4  }
0x1bc: {  	vm1 =	vge.f32 v11, v7;
	vm2 =	vge.f32 v11, v10;
	v12 =	vmul.f32 v11, v8  }
0x1bd: {  	vm1 =	vmor vm1, vm2  }
0x1be: {  	vm1 =	vmor vm0, vm1  }
0x1bf: {  	v11 =	vnsel vm1, $0x0, v11  }
0x1c0: {  	v11 =	vmul.f32 v11, v8  }
0x1c1: {  	[tilespmem:s16+$0xA200] =	vst.add.f32.msk $0xffff, v12  }
0x1c2: {  	[tilespmem:s16+$0x8200] =	vst.add.f32.msk $0xffff, v11  }
0x1c3: {  	v11 =	vld [tilespmem:s15+$0xFFFFFF80];
	_ =	sdelay $0x4  }
0x1c4: {  	vm1 =	vge.f32 v11, v7;
	vm2 =	vge.f32 v11, v10;
	v12 =	vmul.f32 v11, v8  }
0x1c5: {  	vm1 =	vmor vm1, vm2  }
0x1c6: {  	vm1 =	vmor vm0, vm1;
	[tilespmem:s16+$0xA280] =	vst.add.f32.msk $0xffff, v12  }
0x1c7: {  	v11 =	vnsel vm1, $0x0, v11  }
0x1c8: {  	v11 =	vmul.f32 v11, v8;
	_ =	sdelay $0x1  }
0x1c9: {  	[tilespmem:s16+$0x8280] =	vst.add.f32.msk $0xffff, v11  }
0x1ca: {  	v11 =	vld [tilespmem:s15+$0x0];
	_ =	sdelay $0x4  }
0x1cb: {  	vm1 =	vge.f32 v11, v7;
	vm2 =	vge.f32 v11, v10;
	v12 =	vmul.f32 v11, v8  }
0x1cc: {  	vm1 =	vmor vm1, vm2  }
0x1cd: {  	vm1 =	vmor vm0, vm1;
	[tilespmem:s16+$0xA300] =	vst.add.f32.msk $0xffff, v12  }
0x1ce: {  	v11 =	vnsel vm1, $0x0, v11  }
0x1cf: {  	v11 =	vmul.f32 v11, v8;
	_ =	sdelay $0x1  }
0x1d0: {  	[tilespmem:s16+$0x8300] =	vst.add.f32.msk $0xffff, v11  }
0x1d1: {  	v11 =	vld [tilespmem:s15+$0x80];
	_ =	sdelay $0x4  }
0x1d2: {  	vm1 =	vge.f32 v11, v7;
	vm2 =	vge.f32 v11, v10;
	v12 =	vmul.f32 v11, v8  }
0x1d3: {  	vm1 =	vmor vm1, vm2  }
0x1d4: {  	vm1 =	vmor vm0, vm1;
	[tilespmem:s16+$0xA380] =	vst.add.f32.msk $0xffff, v12  }
0x1d5: {  	v11 =	vnsel vm1, $0x0, v11  }
0x1d6: {  	v11 =	vmul.f32 v11, v8;
	_ =	sdelay $0x1  }
0x1d7: {  	[tilespmem:s16+$0x8380] =	vst.add.f32.msk $0xffff, v11  }
0x1d8: {  	v11 =	vld [tilespmem:s15+$0x100];
	_ =	sdelay $0x4  }
0x1d9: {  	vm1 =	vge.f32 v11, v7;
	vm2 =	vge.f32 v11, v10;
	v12 =	vmul.f32 v11, v8  }
0x1da: {  	vm1 =	vmor vm1, vm2  }
0x1db: {  	vm1 =	vmor vm0, vm1;
	[tilespmem:s16+$0xA400] =	vst.add.f32.msk $0xffff, v12  }
0x1dc: {  	v11 =	vnsel vm1, $0x0, v11  }
0x1dd: {  	v11 =	vmul.f32 v11, v8;
	_ =	sdelay $0x1  }
0x1de: {  	[tilespmem:s16+$0x8400] =	vst.add.f32.msk $0xffff, v11  }
0x1df: {  	v11 =	vld [tilespmem:s15+$0x180];
	_ =	sdelay $0x4  }
.Ltmp6:
0x1e0: {  	vm1 =	vge.f32 v11, v7;
	vm2 =	vge.f32 v11, v10;
	v12 =	vmul.f32 v11, v8;
	(pc) =	sbr.rel @p0 .LBB2_15-.Ltmp6, $4  }
0x1e1: {  	vm1 =	vmor vm1, vm2  }
0x1e2: {  	vm1 =	vmor vm0, vm1;
	[tilespmem:s16+$0xA480] =	vst.add.f32.msk $0xffff, v12  }
0x1e3: {  	v11 =	vnsel vm1, $0x0, v11  }
0x1e4: {  	v11 =	vmul.f32 v11, v8  }
0x1e5: {  	s14 =	sadd.s32 $0x1, s14  }
0x1e6: {  	p0 =	sne.s32 s14, $0x10  }
.Ltmp7:
0x1e7: {  	_ = 	snop;
	(pc) =	sbr.rel @p0 .LBB2_4-.Ltmp7, $2  }
0x1e8: {  	_ =	sdelay $0x2  }
0x1e9: {  	s13 =	sadd.s32 $0x80, s13;
	s12 =	sadd.s32 $0x1, s12;
	s11 =	sadd.s32 $0x10, s11;
	[tilespmem:s16+$0x8480] =	vst.add.f32.msk $0xffff, v11;
	v4 =	vadd.f32 v9, v4;
	v3 =	vadd.f32 v6, v3  }
0x1ea: {  	[tilespmem:$0xC100] =	vst v5  }
0x1eb: {  	[tilespmem:$0xC280] =	vst v1;
	s10 =	sadd.s32 $0x1, s10  }
0x1ec: {  	[tilespmem:$0xC180] =	vst v4;
	p0 =	sne.s32 s10, s6  }
.Ltmp8:
0x1ed: {  	[tilespmem:$0xC200] =	vst v3;
	(pc) =	sbr.rel @p0 .LBB2_1-.Ltmp8, $4  }
0x1ee: {  	[hbm4b:s5+s1] =	stream.linear.scatter [tilespmem:s9], [sflag:$0x1], $0x4200, $0x38;
	[tilespmem:$0xC500] =	vst v63  }
0x1ef: {  	_ =	swait.ge [sflag:s7], $0x4200  }
0x1f0: {  	[sflag:s7] =	ssyncset.done $0x0  }
0x1f1: {  	[sflag:s7] =	ssyncadd.s32 $0xFFFFBE00  }
0x1f2: {  	_ =	sfence.sel $0x180000  }
0x1f3: {  	[bflag:$0x0] =	sbarrier.arrive $0xFFFF  }
0x1f4: {  	p0 =	sne.s32 s2, $0x0;
	_ =	strace $0x90000047  }
0x1f5: {  	s0 =	sadd.s32 @!p0 $0x100000, s0;
	[bflag:$0x2] =	sbarrier.arrive $0xFFFF  }
0x1f6: {  	[sflag:s0] =	ssyncadd.tile.s32 @!p0 $0x1;
	_ =	shalt  }
.Lfunc_end2:
_tile_overlayer_lowered:
.L_overlay_start_2:
0x1f7: {  	(tag) =	ssettag $0x2  }
0x1f8: {  	s0 =	rddreg [dreg:$0x0];
	s2 =	stileid.u32  }
0x1f9: {  	s1 =	rddreg [dreg:$0x1];
	p0 =	sne.s32 s2, $0x0  }
0x1fa: {  	s3 =	rddreg [dreg:$0x2];
	[bflag:$0x3] =	sbarrier.arrive $0xFFFF;
	s2 =	simm.s32 @!p0 $0x1C01  }
0x1fb: {  	[timem:s3], [sflag:s2] =	dma.local @!p0 [hbm:s0], s1  }
0x1fc: {  	s0 =	simm.s32 @!p0 $0x1  }
0x1fd: {  	_ =	swait.ge @!p0 [sflag:s0], s1  }
0x1fe: {  	s1 =	ssub.s32 @!p0 $0x0, s1;
	[sflag:s0] =	ssyncset.done @!p0 $0x0  }
0x1ff: {  	[sflag:s0] =	ssyncadd.s32 @!p0 s1  }
0x200: {  	[bflag:$0x3] =	sbarrier.arrive $0xFFFF  }
0x201: {  	_ =	shalt  }

</sc_bundles>
